<compile_context>
chip_gen: v7x
topology: tpu7x:2x2x1
jax: 0.10.2.dev20260603
libtpu: 0.0.44.dev20260713+nightly
codegen_flags: <defaults>
</compile_context>

<pallas_src>
import functools

import jax
import jax.numpy as jnp
from jax import lax
from jax.experimental import pallas as pl
from jax.experimental.pallas import tpu as pltpu
from jax.experimental.pallas import tpu_sc as plsc

N = 10000
E = 320000
H = 128
V = 10001
O = 128

NC = 2
NS = 16
NW = NC * NS

NP = 10240
EMB_CH = 80
ENCH0 = 5
ENCH1 = 3
EMAXCH = max(ENCH0, ENCH1)
EROWS0 = ENCH0 * EMB_CH
EROWS1 = ENCH1 * EMB_CH
ESPLIT = NS * EROWS0

ECH = 128
CH0 = 90
CH1 = 67
MAXCH = max(CH0, CH1)
EP = NS * (CH0 + CH1) * ECH

AGG_ROWS = NP
ROWS_S = AGG_ROWS // NS


def _emb_body(kemb, vemb, kidx, vidx, h_out, ki_v, vi_v, kbuf, vbuf, s1, s2):
    cid = lax.axis_index("c")
    sid = lax.axis_index("s")
    wid = sid * NC + cid
    pltpu.sync_copy(kidx.at[wid], ki_v)
    pltpu.sync_copy(vidx.at[wid], vi_v)
    ench = jnp.where(cid == 0, ENCH0, ENCH1)
    base = jnp.where(cid == 0, sid * EROWS0, ESPLIT + sid * EROWS1)

    @pl.loop(0, ench)
    def _chunk(j):
        a = pltpu.async_copy(kemb.at[ki_v.at[j]], kbuf, s1)
        b = pltpu.async_copy(vemb.at[vi_v.at[j]], vbuf, s2)
        a.wait()
        b.wait()

        @pl.loop(0, EMB_CH)
        def _row(r):
            for c in range(H // 16):
                x = kbuf[r, pl.ds(c * 16, 16)] + vbuf[r, pl.ds(c * 16, 16)]
                kbuf[r, pl.ds(c * 16, 16)] = jnp.maximum(x, 0.0)

        row = pl.multiple_of(base + j * EMB_CH, 8)
        pltpu.sync_copy(kbuf, h_out.at[pl.ds(row, EMB_CH)])


def _agg_body(h, src, dst, agg_out, si_v, di_v, gbuf0, agg_sh, s0):
    cid = lax.axis_index("c")
    sid = lax.axis_index("s")
    wid = sid * NC + cid
    pltpu.sync_copy(src.at[wid], si_v)
    pltpu.sync_copy(dst.at[wid], di_v)

    @pl.loop(0, ECH)
    def _zrow(r):
        for c in range(H // 16):
            gbuf0[r, pl.ds(c * 16, 16)] = jnp.zeros((16,), jnp.float32)

    for z in range(ROWS_S // ECH):
        pltpu.sync_copy(gbuf0, agg_sh.at[pl.ds(sid * ROWS_S + z * ECH, ECH)])
    plsc.subcore_barrier()

    nch = jnp.where(cid == 0, CH0, CH1)

    @pl.loop(0, nch)
    def _chunk(j):
        pltpu.async_copy(h.at[si_v.at[j]], gbuf0, s0).wait()
        pltpu.sync_copy(gbuf0, agg_sh.at[di_v.at[j]], add=True)

    plsc.subcore_barrier()

    base = sid * ROWS_S
    for z in range(ROWS_S // ECH):
        pltpu.sync_copy(agg_sh.at[pl.ds(base + z * ECH, ECH)], gbuf0)
        pltpu.sync_copy(gbuf0, agg_out.at[cid, pl.ds(base + z * ECH, ECH)])


def _mlp_body(h_ref, agg_ref, w1_ref, b1_ref, w2_ref, b2_ref, wc_ref, o_ref):
    x = h_ref[...] + agg_ref[0] + agg_ref[1]
    y = jnp.dot(x, w1_ref[...], preferred_element_type=jnp.float32) + b1_ref[...]
    y = jnp.maximum(y, 0.0)
    y = jnp.dot(y, w2_ref[...], preferred_element_type=jnp.float32) + b2_ref[...]
    o_ref[...] = jnp.dot(y, wc_ref[...], preferred_element_type=jnp.float32)


_MESH = plsc.VectorSubcoreMesh(core_axis_name="c", subcore_axis_name="s")

_emb_call = pl.kernel(
    _emb_body,
    out_type=jax.ShapeDtypeStruct((NP, H), jnp.float32),
    mesh=_MESH,
    scratch_types=[
        pltpu.VMEM((EMAXCH, EMB_CH), jnp.int32),
        pltpu.VMEM((EMAXCH, EMB_CH), jnp.int32),
        pltpu.VMEM((EMB_CH, H), jnp.float32),
        pltpu.VMEM((EMB_CH, H), jnp.float32),
        pltpu.SemaphoreType.DMA,
        pltpu.SemaphoreType.DMA,
    ],
)

_agg_call = pl.kernel(
    _agg_body,
    out_type=jax.ShapeDtypeStruct((NC, AGG_ROWS, H), jnp.float32),
    mesh=_MESH,
    scratch_types=[
        pltpu.VMEM((MAXCH, ECH), jnp.int32),
        pltpu.VMEM((MAXCH, ECH), jnp.int32),
        pltpu.VMEM((ECH, H), jnp.float32),
        pltpu.VMEM_SHARED((AGG_ROWS, H), jnp.float32),
        pltpu.SemaphoreType.DMA,
    ],
)

_BLK = 1000
_GRID = N // _BLK


@functools.partial(jax.jit, static_argnames=())
def kernel(edge_index, feats, key_emb, val_emb, W1, b1, W2, b2, Wc):
    def _pad_chunks(x, maxch):
        n = x.shape[1]
        if n == maxch:
            return x
        return jnp.concatenate(
            [x, jnp.zeros((NS, maxch - n, x.shape[2]), jnp.int32)], axis=1)

    def _esplit(x):
        a = _pad_chunks(x[:ESPLIT].reshape(NS, ENCH0, EMB_CH), EMAXCH)
        b = _pad_chunks(x[ESPLIT:].reshape(NS, ENCH1, EMB_CH), EMAXCH)
        return jnp.stack([a, b], axis=1).reshape(NW, EMAXCH, EMB_CH)

    kidx = _esplit(jnp.concatenate(
        [feats[:, 0].astype(jnp.int32), jnp.zeros((NP - N,), jnp.int32)]))
    vidx = _esplit(jnp.concatenate(
        [feats[:, 1].astype(jnp.int32), jnp.zeros((NP - N,), jnp.int32)]))
    src = jnp.concatenate(
        [edge_index[0].astype(jnp.int32), jnp.zeros((EP - E,), jnp.int32)])
    dst = jnp.concatenate(
        [edge_index[1].astype(jnp.int32),
         N + jnp.arange(EP - E, dtype=jnp.int32) % (AGG_ROWS - N)])

    def _split(x):
        cap0 = NS * CH0 * ECH
        a = _pad_chunks(x[:cap0].reshape(NS, CH0, ECH), MAXCH)
        b = _pad_chunks(x[cap0:].reshape(NS, CH1, ECH), MAXCH)
        return jnp.stack([a, b], axis=1).reshape(NW, MAXCH, ECH)

    h = _emb_call(key_emb, val_emb, kidx, vidx)
    agg = _agg_call(h, _split(src), _split(dst))

    out = pl.pallas_call(
        _mlp_body,
        grid=(_GRID,),
        in_specs=[
            pl.BlockSpec((_BLK, H), lambda i: (i, 0)),
            pl.BlockSpec((NC, _BLK, H), lambda i: (0, i, 0)),
            pl.BlockSpec((H, H), lambda i: (0, 0)),
            pl.BlockSpec((1, H), lambda i: (0, 0)),
            pl.BlockSpec((H, H), lambda i: (0, 0)),
            pl.BlockSpec((1, H), lambda i: (0, 0)),
            pl.BlockSpec((H, O), lambda i: (0, 0)),
        ],
        out_specs=pl.BlockSpec((_BLK, O), lambda i: (i, 0)),
        out_shape=jax.ShapeDtypeStruct((N, O), jnp.float32),
    )(h, agg, W1, b1.reshape(1, H), W2, b2.reshape(1, H), Wc)
    return out

# --- scband reference (transcript-rebuilt; emitter-appended) ---
"""Pipeline reference for scband-ginmodel-38010460569655 (READ-ONLY COPY).

The authoritative reference and input builder live on the scoring server;
editing this copy changes nothing except your own understanding.
"""

import jax, jax.numpy as jnp
import numpy as np

N = 10000
E = 320000
H = 128
V = 10001  # input_dim + 1
O = 128


def setup_inputs(seed: int = 0) -> dict:
    key = jax.random.key(seed)
    ks = jax.random.split(key, 10)
    feats = jax.random.randint(ks[0], (N, 2), 0, V)
    edge_index = jax.random.randint(ks[1], (2, E), 0, N)
    key_emb = jax.random.normal(ks[2], (V, H), dtype=jnp.float32) * 0.02
    val_emb = jax.random.normal(ks[3], (V, H), dtype=jnp.float32) * 0.02
    W1 = jax.random.normal(ks[4], (H, H), dtype=jnp.float32) * (1.0 / np.sqrt(H))
    b1 = jnp.zeros((H,), dtype=jnp.float32)
    W2 = jax.random.normal(ks[5], (H, H), dtype=jnp.float32) * (1.0 / np.sqrt(H))
    b2 = jnp.zeros((H,), dtype=jnp.float32)
    Wc = jax.random.normal(ks[6], (H, O), dtype=jnp.float32) * (1.0 / np.sqrt(H))
    return {"edge_index": edge_index, "feats": feats, "key_emb": key_emb,
            "val_emb": val_emb, "W1": W1, "b1": b1, "W2": W2, "b2": b2, "Wc": Wc}


def reference(edge_index, feats, key_emb, val_emb, W1, b1, W2, b2, Wc):
    # key/val embedding lookup + sum
    h = jnp.take(key_emb, feats[:, 0], axis=0) + jnp.take(val_emb, feats[:, 1], axis=0)
    h = jax.nn.relu(h)
    # GINConv (1 layer): sum-aggregate neighbors, eps=0, then MLP
    src = edge_index[0]
    dst = edge_index[1]
    agg = jax.ops.segment_sum(jnp.take(h, src, axis=0), dst, num_segments=h.shape[0])
    h = h + agg  # (1 + eps) * h + agg with eps = 0
    # MLP: Linear -> ReLU -> Linear (norm='none', dropout=0)
    h = jax.nn.relu(h @ W1 + b1)
    h = h @ W2 + b2
    # classifier (no bias)
    out = h @ Wc
    return out

if __name__ == "__main__":
    import jax
    _d = setup_inputs()
    print(jax.jit(kernel)(*tuple(_d.values())))

</pallas_src>

<mosaic_0001>
#map = affine_map<(d0, d1) -> (0, 0)>
#map1 = affine_map<(d0, d1) -> (0, 0, 0)>
module attributes {stable_mosaic.version = 14 : i64} {
  func.func @_emb_body(%arg0: i32, %arg1: i32, %arg2: memref<10001x128xf32, #tpu.memory_space<hbm>>, %arg3: memref<10001x128xf32, #tpu.memory_space<hbm>>, %arg4: memref<32x5x80xi32, #tpu.memory_space<hbm>>, %arg5: memref<32x5x80xi32, #tpu.memory_space<hbm>>, %arg6: memref<10240x128xf32, #tpu.memory_space<hbm>>, %arg7: memref<5x80xi32, #tpu.memory_space<vmem>>, %arg8: memref<5x80xi32, #tpu.memory_space<vmem>>, %arg9: memref<80x128xf32, #tpu.memory_space<vmem>>, %arg10: memref<80x128xf32, #tpu.memory_space<vmem>>, %arg11: memref<!tpu.dma_semaphore, #tpu.memory_space<semaphore_mem>>, %arg12: memref<!tpu.dma_semaphore, #tpu.memory_space<semaphore_mem>>) attributes {dimension_semantics = [#tpu.dimension_semantics<core_parallel>, #tpu.dimension_semantics<subcore_parallel>], iteration_bounds = array<i64: 2, 16>, scalar_prefetch = 0 : i64, scratch_operands = 6 : i64, tpu.core_type = #tpu.core_type<sc_vector_subcore>, window_params = [{transform_indices = #map}, {transform_indices = #map}, {transform_indices = #map1}, {transform_indices = #map1}, {transform_indices = #map}]} {
    %mul3A = arith.constant 2 : i32
    %mul3A_0 = arith.muli %arg1, %mul3A : i32
    %add3A = arith.addi %mul3A_0, %arg0 : i32
    "tpu.region"() ({
      %run_scoped3A = tpu.sem_alloc : memref<!tpu.dma_semaphore, #tpu.memory_space<semaphore_mem>>
      %dma_start3A = arith.constant 0 : i32
      %dma_start3A_28 = arith.constant 0 : i32
      %dma_start3A_29 = tpu.memref_slice %arg4[%add3A, %dma_start3A, %dma_start3A_28] : memref<32x5x80xi32, #tpu.memory_space<hbm>> -> memref<1x5x80xi32, #tpu.memory_space<hbm>>
      %dma_start3A_30 = tpu.memref_squeeze %dma_start3A_29 : memref<1x5x80xi32, #tpu.memory_space<hbm>> -> memref<5x80xi32, #tpu.memory_space<hbm>>
      %dma_start3A_31 = arith.constant 0 : i32
      %dma_start3A_32 = arith.constant 0 : i32
      %dma_start3A_33 = tpu.memref_slice %arg4[%add3A, %dma_start3A_31, %dma_start3A_32] : memref<32x5x80xi32, #tpu.memory_space<hbm>> -> memref<1x5x80xi32, #tpu.memory_space<hbm>>
      %dma_start3A_34 = tpu.memref_squeeze %dma_start3A_33 : memref<1x5x80xi32, #tpu.memory_space<hbm>> -> memref<5x80xi32, #tpu.memory_space<hbm>>
      tpu.enqueue_dma source(%dma_start3A_34 : memref<5x80xi32, #tpu.memory_space<hbm>>) target(%arg7 : memref<5x80xi32, #tpu.memory_space<vmem>>) target_semaphore(%run_scoped3A : memref<!tpu.dma_semaphore, #tpu.memory_space<semaphore_mem>>)
      %dma_wait3A = arith.constant 0 : i32
      %dma_wait3A_35 = arith.constant 0 : i32
      %dma_wait3A_36 = tpu.memref_slice %arg4[%add3A, %dma_wait3A, %dma_wait3A_35] : memref<32x5x80xi32, #tpu.memory_space<hbm>> -> memref<1x5x80xi32, #tpu.memory_space<hbm>>
      %dma_wait3A_37 = tpu.memref_squeeze %dma_wait3A_36 : memref<1x5x80xi32, #tpu.memory_space<hbm>> -> memref<5x80xi32, #tpu.memory_space<hbm>>
      %dma_wait3A_38 = arith.constant 0 : i32
      %dma_wait3A_39 = arith.constant 0 : i32
      %dma_wait3A_40 = tpu.memref_slice %arg4[%add3A, %dma_wait3A_38, %dma_wait3A_39] : memref<32x5x80xi32, #tpu.memory_space<hbm>> -> memref<1x5x80xi32, #tpu.memory_space<hbm>>
      %dma_wait3A_41 = tpu.memref_squeeze %dma_wait3A_40 : memref<1x5x80xi32, #tpu.memory_space<hbm>> -> memref<5x80xi32, #tpu.memory_space<hbm>>
      tpu.wait_dma2 semaphore(%run_scoped3A : memref<!tpu.dma_semaphore, #tpu.memory_space<semaphore_mem>>) src(%dma_wait3A_41 : memref<5x80xi32, #tpu.memory_space<hbm>>) dst(%arg7 : memref<5x80xi32, #tpu.memory_space<vmem>>)
      tpu.yield
    }) : () -> ()
    "tpu.region"() ({
      %run_scoped3A = tpu.sem_alloc : memref<!tpu.dma_semaphore, #tpu.memory_space<semaphore_mem>>
      %dma_start3A = arith.constant 0 : i32
      %dma_start3A_28 = arith.constant 0 : i32
      %dma_start3A_29 = tpu.memref_slice %arg5[%add3A, %dma_start3A, %dma_start3A_28] : memref<32x5x80xi32, #tpu.memory_space<hbm>> -> memref<1x5x80xi32, #tpu.memory_space<hbm>>
      %dma_start3A_30 = tpu.memref_squeeze %dma_start3A_29 : memref<1x5x80xi32, #tpu.memory_space<hbm>> -> memref<5x80xi32, #tpu.memory_space<hbm>>
      %dma_start3A_31 = arith.constant 0 : i32
      %dma_start3A_32 = arith.constant 0 : i32
      %dma_start3A_33 = tpu.memref_slice %arg5[%add3A, %dma_start3A_31, %dma_start3A_32] : memref<32x5x80xi32, #tpu.memory_space<hbm>> -> memref<1x5x80xi32, #tpu.memory_space<hbm>>
      %dma_start3A_34 = tpu.memref_squeeze %dma_start3A_33 : memref<1x5x80xi32, #tpu.memory_space<hbm>> -> memref<5x80xi32, #tpu.memory_space<hbm>>
      tpu.enqueue_dma source(%dma_start3A_34 : memref<5x80xi32, #tpu.memory_space<hbm>>) target(%arg8 : memref<5x80xi32, #tpu.memory_space<vmem>>) target_semaphore(%run_scoped3A : memref<!tpu.dma_semaphore, #tpu.memory_space<semaphore_mem>>)
      %dma_wait3A = arith.constant 0 : i32
      %dma_wait3A_35 = arith.constant 0 : i32
      %dma_wait3A_36 = tpu.memref_slice %arg5[%add3A, %dma_wait3A, %dma_wait3A_35] : memref<32x5x80xi32, #tpu.memory_space<hbm>> -> memref<1x5x80xi32, #tpu.memory_space<hbm>>
      %dma_wait3A_37 = tpu.memref_squeeze %dma_wait3A_36 : memref<1x5x80xi32, #tpu.memory_space<hbm>> -> memref<5x80xi32, #tpu.memory_space<hbm>>
      %dma_wait3A_38 = arith.constant 0 : i32
      %dma_wait3A_39 = arith.constant 0 : i32
      %dma_wait3A_40 = tpu.memref_slice %arg5[%add3A, %dma_wait3A_38, %dma_wait3A_39] : memref<32x5x80xi32, #tpu.memory_space<hbm>> -> memref<1x5x80xi32, #tpu.memory_space<hbm>>
      %dma_wait3A_41 = tpu.memref_squeeze %dma_wait3A_40 : memref<1x5x80xi32, #tpu.memory_space<hbm>> -> memref<5x80xi32, #tpu.memory_space<hbm>>
      tpu.wait_dma2 semaphore(%run_scoped3A : memref<!tpu.dma_semaphore, #tpu.memory_space<semaphore_mem>>) src(%dma_wait3A_41 : memref<5x80xi32, #tpu.memory_space<hbm>>) dst(%arg8 : memref<5x80xi32, #tpu.memory_space<vmem>>)
      tpu.yield
    }) : () -> ()
    %eq3A = arith.constant 0 : i32
    %eq3A_1 = arith.cmpi eq, %arg0, %eq3A : i32
    %jit3A = arith.constant 5 : i32
    %jit3A_2 = arith.constant 3 : i32
    %select_n3A = arith.select %eq3A_1, %jit3A, %jit3A_2 : i32
    %eq3A_3 = arith.constant 0 : i32
    %eq3A_4 = arith.cmpi eq, %arg0, %eq3A_3 : i32
    %mul3A_5 = arith.constant 400 : i32
    %mul3A_6 = arith.muli %arg1, %mul3A_5 : i32
    %mul3A_7 = arith.constant 240 : i32
    %mul3A_8 = arith.muli %arg1, %mul3A_7 : i32
    %add3A_9 = arith.constant 6400 : i32
    %add3A_10 = arith.addi %add3A_9, %mul3A_8 : i32
    %select_n3A_11 = arith.select %eq3A_4, %mul3A_6, %add3A_10 : i32
    %sub3A = arith.constant 0 : i32
    %sub3A_12 = arith.subi %select_n3A, %sub3A : i32
    %sub3A_13 = arith.constant 1 : i32
    %sub3A_14 = arith.constant 1 : i32
    %sub3A_15 = arith.subi %sub3A_13, %sub3A_14 : i32
    %add3A_16 = arith.addi %sub3A_12, %sub3A_15 : i32
    %div3A = arith.constant 1 : i32
    %div3A_17 = arith.divsi %add3A_16, %div3A : i32
    %while3A = arith.constant 1 : i32
    %while3A_18 = arith.constant 0 : i32
    %while3A_19 = arith.constant 0 : i32
    %while3A_20 = arith.subi %div3A_17, %while3A_19 : i32
    %while3A_21 = arith.addi %while3A_19, %while3A_20 : i32
    %while3A_22 = arith.constant 1 : i32
    %while3A_23 = arith.divsi %while3A_20, %while3A_22 : i32
    %while3A_24 = arith.muli %while3A_23, %while3A_22 : i32
    %while3A_25 = arith.addi %while3A_19, %while3A_24 : i32
    %while3A_26 = arith.constant 1 : i32
    scf.for %while3A_28 = %while3A_19 to %while3A_25 step %while3A_26  : i32 {
      %mul3A_29 = arith.muli %while3A_28, %while3A : i32
      %add3A_30 = arith.addi %while3A_18, %mul3A_29 : i32
      %dma_start3A = arith.constant 0 : i32
      %dma_start3A_31 = tpu.memref_slice %arg7[%add3A_30, %dma_start3A] : memref<5x80xi32, #tpu.memory_space<vmem>> -> memref<1x80xi32, #tpu.memory_space<vmem>>
      %dma_start3A_32 = tpu.memref_squeeze %dma_start3A_31 : memref<1x80xi32, #tpu.memory_space<vmem>> -> memref<80xi32, #tpu.memory_space<vmem>>
      %dma_start3A_33 = arith.constant 0 : i32
      %dma_start3A_34 = arith.constant 0 : i32
      %dma_start3A_35 = tpu.memref_slice %arg2[%dma_start3A_33, %dma_start3A_34] : memref<10001x128xf32, #tpu.memory_space<hbm>> -> memref<10001x128xf32, #tpu.memory_space<hbm>>
      tpu.enqueue_indirect_dma source(%dma_start3A_35 : memref<10001x128xf32, #tpu.memory_space<hbm>>) target(%arg9 : memref<80x128xf32, #tpu.memory_space<vmem>>) offsets(%dma_start3A_32 : memref<80xi32, #tpu.memory_space<vmem>>) semaphore(%arg11 : memref<!tpu.dma_semaphore, #tpu.memory_space<semaphore_mem>>)
      %dma_start3A_36 = arith.constant 0 : i32
      %dma_start3A_37 = tpu.memref_slice %arg8[%add3A_30, %dma_start3A_36] : memref<5x80xi32, #tpu.memory_space<vmem>> -> memref<1x80xi32, #tpu.memory_space<vmem>>
      %dma_start3A_38 = tpu.memref_squeeze %dma_start3A_37 : memref<1x80xi32, #tpu.memory_space<vmem>> -> memref<80xi32, #tpu.memory_space<vmem>>
      %dma_start3A_39 = arith.constant 0 : i32
      %dma_start3A_40 = arith.constant 0 : i32
      %dma_start3A_41 = tpu.memref_slice %arg3[%dma_start3A_39, %dma_start3A_40] : memref<10001x128xf32, #tpu.memory_space<hbm>> -> memref<10001x128xf32, #tpu.memory_space<hbm>>
      tpu.enqueue_indirect_dma source(%dma_start3A_41 : memref<10001x128xf32, #tpu.memory_space<hbm>>) target(%arg10 : memref<80x128xf32, #tpu.memory_space<vmem>>) offsets(%dma_start3A_38 : memref<80xi32, #tpu.memory_space<vmem>>) semaphore(%arg12 : memref<!tpu.dma_semaphore, #tpu.memory_space<semaphore_mem>>)
      %dma_wait3A = arith.constant 0 : i32
      %dma_wait3A_42 = tpu.memref_slice %arg7[%add3A_30, %dma_wait3A] : memref<5x80xi32, #tpu.memory_space<vmem>> -> memref<1x80xi32, #tpu.memory_space<vmem>>
      %dma_wait3A_43 = tpu.memref_squeeze %dma_wait3A_42 : memref<1x80xi32, #tpu.memory_space<vmem>> -> memref<80xi32, #tpu.memory_space<vmem>>
      %dma_wait3A_44 = arith.constant 0 : i32
      %dma_wait3A_45 = arith.constant 0 : i32
      %dma_wait3A_46 = tpu.memref_slice %arg2[%dma_wait3A_44, %dma_wait3A_45] : memref<10001x128xf32, #tpu.memory_space<hbm>> -> memref<10001x128xf32, #tpu.memory_space<hbm>>
      tpu.wait_indirect_dma semaphore(%arg11 : memref<!tpu.dma_semaphore, #tpu.memory_space<semaphore_mem>>) src(%dma_wait3A_46 : memref<10001x128xf32, #tpu.memory_space<hbm>>) dst(%arg9 : memref<80x128xf32, #tpu.memory_space<vmem>>)
      %dma_wait3A_47 = arith.constant 0 : i32
      %dma_wait3A_48 = tpu.memref_slice %arg8[%add3A_30, %dma_wait3A_47] : memref<5x80xi32, #tpu.memory_space<vmem>> -> memref<1x80xi32, #tpu.memory_space<vmem>>
      %dma_wait3A_49 = tpu.memref_squeeze %dma_wait3A_48 : memref<1x80xi32, #tpu.memory_space<vmem>> -> memref<80xi32, #tpu.memory_space<vmem>>
      %dma_wait3A_50 = arith.constant 0 : i32
      %dma_wait3A_51 = arith.constant 0 : i32
      %dma_wait3A_52 = tpu.memref_slice %arg3[%dma_wait3A_50, %dma_wait3A_51] : memref<10001x128xf32, #tpu.memory_space<hbm>> -> memref<10001x128xf32, #tpu.memory_space<hbm>>
      tpu.wait_indirect_dma semaphore(%arg12 : memref<!tpu.dma_semaphore, #tpu.memory_space<semaphore_mem>>) src(%dma_wait3A_52 : memref<10001x128xf32, #tpu.memory_space<hbm>>) dst(%arg10 : memref<80x128xf32, #tpu.memory_space<vmem>>)
      %scan3A = arith.constant 0 : i32
      %scan3A_53 = arith.constant 80 : i32
      %scan3A_54 = arith.addi %scan3A, %scan3A_53 : i32
      %scan3A_55 = arith.constant 1 : i32
      scf.for %scan3A_60 = %scan3A to %scan3A_54 step %scan3A_55  : i32 {
        %mul3A_61 = arith.constant 1 : i32
        %mul3A_62 = arith.muli %scan3A_60, %mul3A_61 : i32
        %add3A_63 = arith.constant 0 : i32
        %add3A_64 = arith.addi %add3A_63, %mul3A_62 : i32
        %get3A = arith.index_cast %add3A_64 : i32 to index
        %get3A_65 = arith.constant 0 : index
        %get3A_66 = tpu.vector_load %arg9[%get3A, %get3A_65] {strides = array<i32>} : memref<80x128xf32, #tpu.memory_space<vmem>>, vector<1x16xf32>,
        %get3A_67 = vector.shape_cast %get3A_66 : vector<1x16xf32> to vector<16xf32>
        %get3A_68 = arith.index_cast %add3A_64 : i32 to index
        %get3A_69 = arith.constant 0 : index
        %get3A_70 = tpu.vector_load %arg10[%get3A_68, %get3A_69] {strides = array<i32>} : memref<80x128xf32, #tpu.memory_space<vmem>>, vector<1x16xf32>,
        %get3A_71 = vector.shape_cast %get3A_70 : vector<1x16xf32> to vector<16xf32>
        %add3A_72 = arith.addf %get3A_67, %get3A_71 : vector<16xf32>
        %max3A = arith.constant 0.000000e+00 : f32
        %max3A_73 = vector.broadcast %max3A : f32 to vector<16xf32>
        %max3A_74 = arith.maximumf %add3A_72, %max3A_73 : vector<16xf32>
        %swap3A = arith.index_cast %add3A_64 : i32 to index
        %swap3A_75 = arith.constant 0 : index
        %swap3A_76 = tpu.vector_load %arg9[%swap3A, %swap3A_75] {strides = array<i32>} : memref<80x128xf32, #tpu.memory_space<vmem>>, vector<1x16xf32>,
        %swap3A_77 = vector.shape_cast %swap3A_76 : vector<1x16xf32> to vector<16xf32>
        %swap3A_78 = vector.shape_cast %max3A_74 : vector<16xf32> to vector<1x16xf32>
        tpu.vector_store %arg9[%swap3A, %swap3A_75], %swap3A_78 {strides = array<i32>} : memref<80x128xf32, #tpu.memory_space<vmem>>, vector<1x16xf32>,
        %get3A_79 = arith.index_cast %add3A_64 : i32 to index
        %get3A_80 = arith.constant 16 : index
        %get3A_81 = tpu.vector_load %arg9[%get3A_79, %get3A_80] {strides = array<i32>} : memref<80x128xf32, #tpu.memory_space<vmem>>, vector<1x16xf32>,
        %get3A_82 = vector.shape_cast %get3A_81 : vector<1x16xf32> to vector<16xf32>
        %get3A_83 = arith.index_cast %add3A_64 : i32 to index
        %get3A_84 = arith.constant 16 : index
        %get3A_85 = tpu.vector_load %arg10[%get3A_83, %get3A_84] {strides = array<i32>} : memref<80x128xf32, #tpu.memory_space<vmem>>, vector<1x16xf32>,
        %get3A_86 = vector.shape_cast %get3A_85 : vector<1x16xf32> to vector<16xf32>
        %add3A_87 = arith.addf %get3A_82, %get3A_86 : vector<16xf32>
        %max3A_88 = arith.constant 0.000000e+00 : f32
        %max3A_89 = vector.broadcast %max3A_88 : f32 to vector<16xf32>
        %max3A_90 = arith.maximumf %add3A_87, %max3A_89 : vector<16xf32>
        %swap3A_91 = arith.index_cast %add3A_64 : i32 to index
        %swap3A_92 = arith.constant 16 : index
        %swap3A_93 = tpu.vector_load %arg9[%swap3A_91, %swap3A_92] {strides = array<i32>} : memref<80x128xf32, #tpu.memory_space<vmem>>, vector<1x16xf32>,
        %swap3A_94 = vector.shape_cast %swap3A_93 : vector<1x16xf32> to vector<16xf32>
        %swap3A_95 = vector.shape_cast %max3A_90 : vector<16xf32> to vector<1x16xf32>
        tpu.vector_store %arg9[%swap3A_91, %swap3A_92], %swap3A_95 {strides = array<i32>} : memref<80x128xf32, #tpu.memory_space<vmem>>, vector<1x16xf32>,
        %get3A_96 = arith.index_cast %add3A_64 : i32 to index
        %get3A_97 = arith.constant 32 : index
        %get3A_98 = tpu.vector_load %arg9[%get3A_96, %get3A_97] {strides = array<i32>} : memref<80x128xf32, #tpu.memory_space<vmem>>, vector<1x16xf32>,
        %get3A_99 = vector.shape_cast %get3A_98 : vector<1x16xf32> to vector<16xf32>
        %get3A_100 = arith.index_cast %add3A_64 : i32 to index
        %get3A_101 = arith.constant 32 : index
        %get3A_102 = tpu.vector_load %arg10[%get3A_100, %get3A_101] {strides = array<i32>} : memref<80x128xf32, #tpu.memory_space<vmem>>, vector<1x16xf32>,
        %get3A_103 = vector.shape_cast %get3A_102 : vector<1x16xf32> to vector<16xf32>
        %add3A_104 = arith.addf %get3A_99, %get3A_103 : vector<16xf32>
        %max3A_105 = arith.constant 0.000000e+00 : f32
        %max3A_106 = vector.broadcast %max3A_105 : f32 to vector<16xf32>
        %max3A_107 = arith.maximumf %add3A_104, %max3A_106 : vector<16xf32>
        %swap3A_108 = arith.index_cast %add3A_64 : i32 to index
        %swap3A_109 = arith.constant 32 : index
        %swap3A_110 = tpu.vector_load %arg9[%swap3A_108, %swap3A_109] {strides = array<i32>} : memref<80x128xf32, #tpu.memory_space<vmem>>, vector<1x16xf32>,
        %swap3A_111 = vector.shape_cast %swap3A_110 : vector<1x16xf32> to vector<16xf32>
        %swap3A_112 = vector.shape_cast %max3A_107 : vector<16xf32> to vector<1x16xf32>
        tpu.vector_store %arg9[%swap3A_108, %swap3A_109], %swap3A_112 {strides = array<i32>} : memref<80x128xf32, #tpu.memory_space<vmem>>, vector<1x16xf32>,
        %get3A_113 = arith.index_cast %add3A_64 : i32 to index
        %get3A_114 = arith.constant 48 : index
        %get3A_115 = tpu.vector_load %arg9[%get3A_113, %get3A_114] {strides = array<i32>} : memref<80x128xf32, #tpu.memory_space<vmem>>, vector<1x16xf32>,
        %get3A_116 = vector.shape_cast %get3A_115 : vector<1x16xf32> to vector<16xf32>
        %get3A_117 = arith.index_cast %add3A_64 : i32 to index
        %get3A_118 = arith.constant 48 : index
        %get3A_119 = tpu.vector_load %arg10[%get3A_117, %get3A_118] {strides = array<i32>} : memref<80x128xf32, #tpu.memory_space<vmem>>, vector<1x16xf32>,
        %get3A_120 = vector.shape_cast %get3A_119 : vector<1x16xf32> to vector<16xf32>
        %add3A_121 = arith.addf %get3A_116, %get3A_120 : vector<16xf32>
        %max3A_122 = arith.constant 0.000000e+00 : f32
        %max3A_123 = vector.broadcast %max3A_122 : f32 to vector<16xf32>
        %max3A_124 = arith.maximumf %add3A_121, %max3A_123 : vector<16xf32>
        %swap3A_125 = arith.index_cast %add3A_64 : i32 to index
        %swap3A_126 = arith.constant 48 : index
        %swap3A_127 = tpu.vector_load %arg9[%swap3A_125, %swap3A_126] {strides = array<i32>} : memref<80x128xf32, #tpu.memory_space<vmem>>, vector<1x16xf32>,
        %swap3A_128 = vector.shape_cast %swap3A_127 : vector<1x16xf32> to vector<16xf32>
        %swap3A_129 = vector.shape_cast %max3A_124 : vector<16xf32> to vector<1x16xf32>
        tpu.vector_store %arg9[%swap3A_125, %swap3A_126], %swap3A_129 {strides = array<i32>} : memref<80x128xf32, #tpu.memory_space<vmem>>, vector<1x16xf32>,
        %get3A_130 = arith.index_cast %add3A_64 : i32 to index
        %get3A_131 = arith.constant 64 : index
        %get3A_132 = tpu.vector_load %arg9[%get3A_130, %get3A_131] {strides = array<i32>} : memref<80x128xf32, #tpu.memory_space<vmem>>, vector<1x16xf32>,
        %get3A_133 = vector.shape_cast %get3A_132 : vector<1x16xf32> to vector<16xf32>
        %get3A_134 = arith.index_cast %add3A_64 : i32 to index
        %get3A_135 = arith.constant 64 : index
        %get3A_136 = tpu.vector_load %arg10[%get3A_134, %get3A_135] {strides = array<i32>} : memref<80x128xf32, #tpu.memory_space<vmem>>, vector<1x16xf32>,
        %get3A_137 = vector.shape_cast %get3A_136 : vector<1x16xf32> to vector<16xf32>
        %add3A_138 = arith.addf %get3A_133, %get3A_137 : vector<16xf32>
        %max3A_139 = arith.constant 0.000000e+00 : f32
        %max3A_140 = vector.broadcast %max3A_139 : f32 to vector<16xf32>
        %max3A_141 = arith.maximumf %add3A_138, %max3A_140 : vector<16xf32>
        %swap3A_142 = arith.index_cast %add3A_64 : i32 to index
        %swap3A_143 = arith.constant 64 : index
        %swap3A_144 = tpu.vector_load %arg9[%swap3A_142, %swap3A_143] {strides = array<i32>} : memref<80x128xf32, #tpu.memory_space<vmem>>, vector<1x16xf32>,
        %swap3A_145 = vector.shape_cast %swap3A_144 : vector<1x16xf32> to vector<16xf32>
        %swap3A_146 = vector.shape_cast %max3A_141 : vector<16xf32> to vector<1x16xf32>
        tpu.vector_store %arg9[%swap3A_142, %swap3A_143], %swap3A_146 {strides = array<i32>} : memref<80x128xf32, #tpu.memory_space<vmem>>, vector<1x16xf32>,
        %get3A_147 = arith.index_cast %add3A_64 : i32 to index
        %get3A_148 = arith.constant 80 : index
        %get3A_149 = tpu.vector_load %arg9[%get3A_147, %get3A_148] {strides = array<i32>} : memref<80x128xf32, #tpu.memory_space<vmem>>, vector<1x16xf32>,
        %get3A_150 = vector.shape_cast %get3A_149 : vector<1x16xf32> to vector<16xf32>
        %get3A_151 = arith.index_cast %add3A_64 : i32 to index
        %get3A_152 = arith.constant 80 : index
        %get3A_153 = tpu.vector_load %arg10[%get3A_151, %get3A_152] {strides = array<i32>} : memref<80x128xf32, #tpu.memory_space<vmem>>, vector<1x16xf32>,
        %get3A_154 = vector.shape_cast %get3A_153 : vector<1x16xf32> to vector<16xf32>
        %add3A_155 = arith.addf %get3A_150, %get3A_154 : vector<16xf32>
        %max3A_156 = arith.constant 0.000000e+00 : f32
        %max3A_157 = vector.broadcast %max3A_156 : f32 to vector<16xf32>
        %max3A_158 = arith.maximumf %add3A_155, %max3A_157 : vector<16xf32>
        %swap3A_159 = arith.index_cast %add3A_64 : i32 to index
        %swap3A_160 = arith.constant 80 : index
        %swap3A_161 = tpu.vector_load %arg9[%swap3A_159, %swap3A_160] {strides = array<i32>} : memref<80x128xf32, #tpu.memory_space<vmem>>, vector<1x16xf32>,
        %swap3A_162 = vector.shape_cast %swap3A_161 : vector<1x16xf32> to vector<16xf32>
        %swap3A_163 = vector.shape_cast %max3A_158 : vector<16xf32> to vector<1x16xf32>
        tpu.vector_store %arg9[%swap3A_159, %swap3A_160], %swap3A_163 {strides = array<i32>} : memref<80x128xf32, #tpu.memory_space<vmem>>, vector<1x16xf32>,
        %get3A_164 = arith.index_cast %add3A_64 : i32 to index
        %get3A_165 = arith.constant 96 : index
        %get3A_166 = tpu.vector_load %arg9[%get3A_164, %get3A_165] {strides = array<i32>} : memref<80x128xf32, #tpu.memory_space<vmem>>, vector<1x16xf32>,
        %get3A_167 = vector.shape_cast %get3A_166 : vector<1x16xf32> to vector<16xf32>
        %get3A_168 = arith.index_cast %add3A_64 : i32 to index
        %get3A_169 = arith.constant 96 : index
        %get3A_170 = tpu.vector_load %arg10[%get3A_168, %get3A_169] {strides = array<i32>} : memref<80x128xf32, #tpu.memory_space<vmem>>, vector<1x16xf32>,
        %get3A_171 = vector.shape_cast %get3A_170 : vector<1x16xf32> to vector<16xf32>
        %add3A_172 = arith.addf %get3A_167, %get3A_171 : vector<16xf32>
        %max3A_173 = arith.constant 0.000000e+00 : f32
        %max3A_174 = vector.broadcast %max3A_173 : f32 to vector<16xf32>
        %max3A_175 = arith.maximumf %add3A_172, %max3A_174 : vector<16xf32>
        %swap3A_176 = arith.index_cast %add3A_64 : i32 to index
        %swap3A_177 = arith.constant 96 : index
        %swap3A_178 = tpu.vector_load %arg9[%swap3A_176, %swap3A_177] {strides = array<i32>} : memref<80x128xf32, #tpu.memory_space<vmem>>, vector<1x16xf32>,
        %swap3A_179 = vector.shape_cast %swap3A_178 : vector<1x16xf32> to vector<16xf32>
        %swap3A_180 = vector.shape_cast %max3A_175 : vector<16xf32> to vector<1x16xf32>
        tpu.vector_store %arg9[%swap3A_176, %swap3A_177], %swap3A_180 {strides = array<i32>} : memref<80x128xf32, #tpu.memory_space<vmem>>, vector<1x16xf32>,
        %get3A_181 = arith.index_cast %add3A_64 : i32 to index
        %get3A_182 = arith.constant 112 : index
        %get3A_183 = tpu.vector_load %arg9[%get3A_181, %get3A_182] {strides = array<i32>} : memref<80x128xf32, #tpu.memory_space<vmem>>, vector<1x16xf32>,
        %get3A_184 = vector.shape_cast %get3A_183 : vector<1x16xf32> to vector<16xf32>
        %get3A_185 = arith.index_cast %add3A_64 : i32 to index
        %get3A_186 = arith.constant 112 : index
        %get3A_187 = tpu.vector_load %arg10[%get3A_185, %get3A_186] {strides = array<i32>} : memref<80x128xf32, #tpu.memory_space<vmem>>, vector<1x16xf32>,
        %get3A_188 = vector.shape_cast %get3A_187 : vector<1x16xf32> to vector<16xf32>
        %add3A_189 = arith.addf %get3A_184, %get3A_188 : vector<16xf32>
        %max3A_190 = arith.constant 0.000000e+00 : f32
        %max3A_191 = vector.broadcast %max3A_190 : f32 to vector<16xf32>
        %max3A_192 = arith.maximumf %add3A_189, %max3A_191 : vector<16xf32>
        %swap3A_193 = arith.index_cast %add3A_64 : i32 to index
        %swap3A_194 = arith.constant 112 : index
        %swap3A_195 = tpu.vector_load %arg9[%swap3A_193, %swap3A_194] {strides = array<i32>} : memref<80x128xf32, #tpu.memory_space<vmem>>, vector<1x16xf32>,
        %swap3A_196 = vector.shape_cast %swap3A_195 : vector<1x16xf32> to vector<16xf32>
        %swap3A_197 = vector.shape_cast %max3A_192 : vector<16xf32> to vector<1x16xf32>
        tpu.vector_store %arg9[%swap3A_193, %swap3A_194], %swap3A_197 {strides = array<i32>} : memref<80x128xf32, #tpu.memory_space<vmem>>, vector<1x16xf32>,
      }
      %scan3A_56 = arith.constant 80 : i32
      %mul3A_57 = arith.constant 80 : i32
      %mul3A_58 = arith.muli %add3A_30, %mul3A_57 : i32
      %add3A_59 = arith.addi %select_n3A_11, %mul3A_58 : i32
      %multiple_of3A = tpu.assume_multiple %add3A_59, 8 : i32
      "tpu.region"() ({
        %run_scoped3A = tpu.sem_alloc : memref<!tpu.dma_semaphore, #tpu.memory_space<semaphore_mem>>
        %dma_start3A_60 = arith.constant 0 : i32
        %dma_start3A_61 = tpu.memref_slice %arg6[%multiple_of3A, %dma_start3A_60] : memref<10240x128xf32, #tpu.memory_space<hbm>> -> memref<80x128xf32, #tpu.memory_space<hbm>>
        %dma_start3A_62 = arith.constant 0 : i32
        %dma_start3A_63 = tpu.memref_slice %arg6[%multiple_of3A, %dma_start3A_62] : memref<10240x128xf32, #tpu.memory_space<hbm>> -> memref<80x128xf32, #tpu.memory_space<hbm>>
        tpu.enqueue_dma source(%arg9 : memref<80x128xf32, #tpu.memory_space<vmem>>) target(%dma_start3A_63 : memref<80x128xf32, #tpu.memory_space<hbm>>) target_semaphore(%run_scoped3A : memref<!tpu.dma_semaphore, #tpu.memory_space<semaphore_mem>>)
        %dma_wait3A_64 = arith.constant 0 : i32
        %dma_wait3A_65 = tpu.memref_slice %arg6[%multiple_of3A, %dma_wait3A_64] : memref<10240x128xf32, #tpu.memory_space<hbm>> -> memref<80x128xf32, #tpu.memory_space<hbm>>
        %dma_wait3A_66 = arith.constant 0 : i32
        %dma_wait3A_67 = tpu.memref_slice %arg6[%multiple_of3A, %dma_wait3A_66] : memref<10240x128xf32, #tpu.memory_space<hbm>> -> memref<80x128xf32, #tpu.memory_space<hbm>>
        tpu.wait_dma2 semaphore(%run_scoped3A : memref<!tpu.dma_semaphore, #tpu.memory_space<semaphore_mem>>) src(%arg9 : memref<80x128xf32, #tpu.memory_space<vmem>>) dst(%dma_wait3A_67 : memref<80x128xf32, #tpu.memory_space<hbm>>)
        tpu.yield
      }) : () -> ()
    }
    %while3A_27 = arith.constant 1 : i32
    scf.for %while3A_28 = %while3A_25 to %while3A_21 step %while3A_27  : i32 {
      %mul3A_29 = arith.muli %while3A_28, %while3A : i32
      %add3A_30 = arith.addi %while3A_18, %mul3A_29 : i32
      %dma_start3A = arith.constant 0 : i32
      %dma_start3A_31 = tpu.memref_slice %arg7[%add3A_30, %dma_start3A] : memref<5x80xi32, #tpu.memory_space<vmem>> -> memref<1x80xi32, #tpu.memory_space<vmem>>
      %dma_start3A_32 = tpu.memref_squeeze %dma_start3A_31 : memref<1x80xi32, #tpu.memory_space<vmem>> -> memref<80xi32, #tpu.memory_space<vmem>>
      %dma_start3A_33 = arith.constant 0 : i32
      %dma_start3A_34 = arith.constant 0 : i32
      %dma_start3A_35 = tpu.memref_slice %arg2[%dma_start3A_33, %dma_start3A_34] : memref<10001x128xf32, #tpu.memory_space<hbm>> -> memref<10001x128xf32, #tpu.memory_space<hbm>>
      tpu.enqueue_indirect_dma source(%dma_start3A_35 : memref<10001x128xf32, #tpu.memory_space<hbm>>) target(%arg9 : memref<80x128xf32, #tpu.memory_space<vmem>>) offsets(%dma_start3A_32 : memref<80xi32, #tpu.memory_space<vmem>>) semaphore(%arg11 : memref<!tpu.dma_semaphore, #tpu.memory_space<semaphore_mem>>)
      %dma_start3A_36 = arith.constant 0 : i32
      %dma_start3A_37 = tpu.memref_slice %arg8[%add3A_30, %dma_start3A_36] : memref<5x80xi32, #tpu.memory_space<vmem>> -> memref<1x80xi32, #tpu.memory_space<vmem>>
      %dma_start3A_38 = tpu.memref_squeeze %dma_start3A_37 : memref<1x80xi32, #tpu.memory_space<vmem>> -> memref<80xi32, #tpu.memory_space<vmem>>
      %dma_start3A_39 = arith.constant 0 : i32
      %dma_start3A_40 = arith.constant 0 : i32
      %dma_start3A_41 = tpu.memref_slice %arg3[%dma_start3A_39, %dma_start3A_40] : memref<10001x128xf32, #tpu.memory_space<hbm>> -> memref<10001x128xf32, #tpu.memory_space<hbm>>
      tpu.enqueue_indirect_dma source(%dma_start3A_41 : memref<10001x128xf32, #tpu.memory_space<hbm>>) target(%arg10 : memref<80x128xf32, #tpu.memory_space<vmem>>) offsets(%dma_start3A_38 : memref<80xi32, #tpu.memory_space<vmem>>) semaphore(%arg12 : memref<!tpu.dma_semaphore, #tpu.memory_space<semaphore_mem>>)
      %dma_wait3A = arith.constant 0 : i32
      %dma_wait3A_42 = tpu.memref_slice %arg7[%add3A_30, %dma_wait3A] : memref<5x80xi32, #tpu.memory_space<vmem>> -> memref<1x80xi32, #tpu.memory_space<vmem>>
      %dma_wait3A_43 = tpu.memref_squeeze %dma_wait3A_42 : memref<1x80xi32, #tpu.memory_space<vmem>> -> memref<80xi32, #tpu.memory_space<vmem>>
      %dma_wait3A_44 = arith.constant 0 : i32
      %dma_wait3A_45 = arith.constant 0 : i32
      %dma_wait3A_46 = tpu.memref_slice %arg2[%dma_wait3A_44, %dma_wait3A_45] : memref<10001x128xf32, #tpu.memory_space<hbm>> -> memref<10001x128xf32, #tpu.memory_space<hbm>>
      tpu.wait_indirect_dma semaphore(%arg11 : memref<!tpu.dma_semaphore, #tpu.memory_space<semaphore_mem>>) src(%dma_wait3A_46 : memref<10001x128xf32, #tpu.memory_space<hbm>>) dst(%arg9 : memref<80x128xf32, #tpu.memory_space<vmem>>)
      %dma_wait3A_47 = arith.constant 0 : i32
      %dma_wait3A_48 = tpu.memref_slice %arg8[%add3A_30, %dma_wait3A_47] : memref<5x80xi32, #tpu.memory_space<vmem>> -> memref<1x80xi32, #tpu.memory_space<vmem>>
      %dma_wait3A_49 = tpu.memref_squeeze %dma_wait3A_48 : memref<1x80xi32, #tpu.memory_space<vmem>> -> memref<80xi32, #tpu.memory_space<vmem>>
      %dma_wait3A_50 = arith.constant 0 : i32
      %dma_wait3A_51 = arith.constant 0 : i32
      %dma_wait3A_52 = tpu.memref_slice %arg3[%dma_wait3A_50, %dma_wait3A_51] : memref<10001x128xf32, #tpu.memory_space<hbm>> -> memref<10001x128xf32, #tpu.memory_space<hbm>>
      tpu.wait_indirect_dma semaphore(%arg12 : memref<!tpu.dma_semaphore, #tpu.memory_space<semaphore_mem>>) src(%dma_wait3A_52 : memref<10001x128xf32, #tpu.memory_space<hbm>>) dst(%arg10 : memref<80x128xf32, #tpu.memory_space<vmem>>)
      %scan3A = arith.constant 0 : i32
      %scan3A_53 = arith.constant 80 : i32
      %scan3A_54 = arith.addi %scan3A, %scan3A_53 : i32
      %scan3A_55 = arith.constant 1 : i32
      scf.for %scan3A_60 = %scan3A to %scan3A_54 step %scan3A_55  : i32 {
        %mul3A_61 = arith.constant 1 : i32
        %mul3A_62 = arith.muli %scan3A_60, %mul3A_61 : i32
        %add3A_63 = arith.constant 0 : i32
        %add3A_64 = arith.addi %add3A_63, %mul3A_62 : i32
        %get3A = arith.index_cast %add3A_64 : i32 to index
        %get3A_65 = arith.constant 0 : index
        %get3A_66 = tpu.vector_load %arg9[%get3A, %get3A_65] {strides = array<i32>} : memref<80x128xf32, #tpu.memory_space<vmem>>, vector<1x16xf32>,
        %get3A_67 = vector.shape_cast %get3A_66 : vector<1x16xf32> to vector<16xf32>
        %get3A_68 = arith.index_cast %add3A_64 : i32 to index
        %get3A_69 = arith.constant 0 : index
        %get3A_70 = tpu.vector_load %arg10[%get3A_68, %get3A_69] {strides = array<i32>} : memref<80x128xf32, #tpu.memory_space<vmem>>, vector<1x16xf32>,
        %get3A_71 = vector.shape_cast %get3A_70 : vector<1x16xf32> to vector<16xf32>
        %add3A_72 = arith.addf %get3A_67, %get3A_71 : vector<16xf32>
        %max3A = arith.constant 0.000000e+00 : f32
        %max3A_73 = vector.broadcast %max3A : f32 to vector<16xf32>
        %max3A_74 = arith.maximumf %add3A_72, %max3A_73 : vector<16xf32>
        %swap3A = arith.index_cast %add3A_64 : i32 to index
        %swap3A_75 = arith.constant 0 : index
        %swap3A_76 = tpu.vector_load %arg9[%swap3A, %swap3A_75] {strides = array<i32>} : memref<80x128xf32, #tpu.memory_space<vmem>>, vector<1x16xf32>,
        %swap3A_77 = vector.shape_cast %swap3A_76 : vector<1x16xf32> to vector<16xf32>
        %swap3A_78 = vector.shape_cast %max3A_74 : vector<16xf32> to vector<1x16xf32>
        tpu.vector_store %arg9[%swap3A, %swap3A_75], %swap3A_78 {strides = array<i32>} : memref<80x128xf32, #tpu.memory_space<vmem>>, vector<1x16xf32>,
        %get3A_79 = arith.index_cast %add3A_64 : i32 to index
        %get3A_80 = arith.constant 16 : index
        %get3A_81 = tpu.vector_load %arg9[%get3A_79, %get3A_80] {strides = array<i32>} : memref<80x128xf32, #tpu.memory_space<vmem>>, vector<1x16xf32>,
        %get3A_82 = vector.shape_cast %get3A_81 : vector<1x16xf32> to vector<16xf32>
        %get3A_83 = arith.index_cast %add3A_64 : i32 to index
        %get3A_84 = arith.constant 16 : index
        %get3A_85 = tpu.vector_load %arg10[%get3A_83, %get3A_84] {strides = array<i32>} : memref<80x128xf32, #tpu.memory_space<vmem>>, vector<1x16xf32>,
        %get3A_86 = vector.shape_cast %get3A_85 : vector<1x16xf32> to vector<16xf32>
        %add3A_87 = arith.addf %get3A_82, %get3A_86 : vector<16xf32>
        %max3A_88 = arith.constant 0.000000e+00 : f32
        %max3A_89 = vector.broadcast %max3A_88 : f32 to vector<16xf32>
        %max3A_90 = arith.maximumf %add3A_87, %max3A_89 : vector<16xf32>
        %swap3A_91 = arith.index_cast %add3A_64 : i32 to index
        %swap3A_92 = arith.constant 16 : index
        %swap3A_93 = tpu.vector_load %arg9[%swap3A_91, %swap3A_92] {strides = array<i32>} : memref<80x128xf32, #tpu.memory_space<vmem>>, vector<1x16xf32>,
        %swap3A_94 = vector.shape_cast %swap3A_93 : vector<1x16xf32> to vector<16xf32>
        %swap3A_95 = vector.shape_cast %max3A_90 : vector<16xf32> to vector<1x16xf32>
        tpu.vector_store %arg9[%swap3A_91, %swap3A_92], %swap3A_95 {strides = array<i32>} : memref<80x128xf32, #tpu.memory_space<vmem>>, vector<1x16xf32>,
        %get3A_96 = arith.index_cast %add3A_64 : i32 to index
        %get3A_97 = arith.constant 32 : index
        %get3A_98 = tpu.vector_load %arg9[%get3A_96, %get3A_97] {strides = array<i32>} : memref<80x128xf32, #tpu.memory_space<vmem>>, vector<1x16xf32>,
        %get3A_99 = vector.shape_cast %get3A_98 : vector<1x16xf32> to vector<16xf32>
        %get3A_100 = arith.index_cast %add3A_64 : i32 to index
        %get3A_101 = arith.constant 32 : index
        %get3A_102 = tpu.vector_load %arg10[%get3A_100, %get3A_101] {strides = array<i32>} : memref<80x128xf32, #tpu.memory_space<vmem>>, vector<1x16xf32>,
        %get3A_103 = vector.shape_cast %get3A_102 : vector<1x16xf32> to vector<16xf32>
        %add3A_104 = arith.addf %get3A_99, %get3A_103 : vector<16xf32>
        %max3A_105 = arith.constant 0.000000e+00 : f32
        %max3A_106 = vector.broadcast %max3A_105 : f32 to vector<16xf32>
        %max3A_107 = arith.maximumf %add3A_104, %max3A_106 : vector<16xf32>
        %swap3A_108 = arith.index_cast %add3A_64 : i32 to index
        %swap3A_109 = arith.constant 32 : index
        %swap3A_110 = tpu.vector_load %arg9[%swap3A_108, %swap3A_109] {strides = array<i32>} : memref<80x128xf32, #tpu.memory_space<vmem>>, vector<1x16xf32>,
        %swap3A_111 = vector.shape_cast %swap3A_110 : vector<1x16xf32> to vector<16xf32>
        %swap3A_112 = vector.shape_cast %max3A_107 : vector<16xf32> to vector<1x16xf32>
        tpu.vector_store %arg9[%swap3A_108, %swap3A_109], %swap3A_112 {strides = array<i32>} : memref<80x128xf32, #tpu.memory_space<vmem>>, vector<1x16xf32>,
        %get3A_113 = arith.index_cast %add3A_64 : i32 to index
        %get3A_114 = arith.constant 48 : index
        %get3A_115 = tpu.vector_load %arg9[%get3A_113, %get3A_114] {strides = array<i32>} : memref<80x128xf32, #tpu.memory_space<vmem>>, vector<1x16xf32>,
        %get3A_116 = vector.shape_cast %get3A_115 : vector<1x16xf32> to vector<16xf32>
        %get3A_117 = arith.index_cast %add3A_64 : i32 to index
        %get3A_118 = arith.constant 48 : index
        %get3A_119 = tpu.vector_load %arg10[%get3A_117, %get3A_118] {strides = array<i32>} : memref<80x128xf32, #tpu.memory_space<vmem>>, vector<1x16xf32>,
        %get3A_120 = vector.shape_cast %get3A_119 : vector<1x16xf32> to vector<16xf32>
        %add3A_121 = arith.addf %get3A_116, %get3A_120 : vector<16xf32>
        %max3A_122 = arith.constant 0.000000e+00 : f32
        %max3A_123 = vector.broadcast %max3A_122 : f32 to vector<16xf32>
        %max3A_124 = arith.maximumf %add3A_121, %max3A_123 : vector<16xf32>
        %swap3A_125 = arith.index_cast %add3A_64 : i32 to index
        %swap3A_126 = arith.constant 48 : index
        %swap3A_127 = tpu.vector_load %arg9[%swap3A_125, %swap3A_126] {strides = array<i32>} : memref<80x128xf32, #tpu.memory_space<vmem>>, vector<1x16xf32>,
        %swap3A_128 = vector.shape_cast %swap3A_127 : vector<1x16xf32> to vector<16xf32>
        %swap3A_129 = vector.shape_cast %max3A_124 : vector<16xf32> to vector<1x16xf32>
        tpu.vector_store %arg9[%swap3A_125, %swap3A_126], %swap3A_129 {strides = array<i32>} : memref<80x128xf32, #tpu.memory_space<vmem>>, vector<1x16xf32>,
        %get3A_130 = arith.index_cast %add3A_64 : i32 to index
        %get3A_131 = arith.constant 64 : index
        %get3A_132 = tpu.vector_load %arg9[%get3A_130, %get3A_131] {strides = array<i32>} : memref<80x128xf32, #tpu.memory_space<vmem>>, vector<1x16xf32>,
        %get3A_133 = vector.shape_cast %get3A_132 : vector<1x16xf32> to vector<16xf32>
        %get3A_134 = arith.index_cast %add3A_64 : i32 to index
        %get3A_135 = arith.constant 64 : index
        %get3A_136 = tpu.vector_load %arg10[%get3A_134, %get3A_135] {strides = array<i32>} : memref<80x128xf32, #tpu.memory_space<vmem>>, vector<1x16xf32>,
        %get3A_137 = vector.shape_cast %get3A_136 : vector<1x16xf32> to vector<16xf32>
        %add3A_138 = arith.addf %get3A_133, %get3A_137 : vector<16xf32>
        %max3A_139 = arith.constant 0.000000e+00 : f32
        %max3A_140 = vector.broadcast %max3A_139 : f32 to vector<16xf32>
        %max3A_141 = arith.maximumf %add3A_138, %max3A_140 : vector<16xf32>
        %swap3A_142 = arith.index_cast %add3A_64 : i32 to index
        %swap3A_143 = arith.constant 64 : index
        %swap3A_144 = tpu.vector_load %arg9[%swap3A_142, %swap3A_143] {strides = array<i32>} : memref<80x128xf32, #tpu.memory_space<vmem>>, vector<1x16xf32>,
        %swap3A_145 = vector.shape_cast %swap3A_144 : vector<1x16xf32> to vector<16xf32>
        %swap3A_146 = vector.shape_cast %max3A_141 : vector<16xf32> to vector<1x16xf32>
        tpu.vector_store %arg9[%swap3A_142, %swap3A_143], %swap3A_146 {strides = array<i32>} : memref<80x128xf32, #tpu.memory_space<vmem>>, vector<1x16xf32>,
        %get3A_147 = arith.index_cast %add3A_64 : i32 to index
        %get3A_148 = arith.constant 80 : index
        %get3A_149 = tpu.vector_load %arg9[%get3A_147, %get3A_148] {strides = array<i32>} : memref<80x128xf32, #tpu.memory_space<vmem>>, vector<1x16xf32>,
        %get3A_150 = vector.shape_cast %get3A_149 : vector<1x16xf32> to vector<16xf32>
        %get3A_151 = arith.index_cast %add3A_64 : i32 to index
        %get3A_152 = arith.constant 80 : index
        %get3A_153 = tpu.vector_load %arg10[%get3A_151, %get3A_152] {strides = array<i32>} : memref<80x128xf32, #tpu.memory_space<vmem>>, vector<1x16xf32>,
        %get3A_154 = vector.shape_cast %get3A_153 : vector<1x16xf32> to vector<16xf32>
        %add3A_155 = arith.addf %get3A_150, %get3A_154 : vector<16xf32>
        %max3A_156 = arith.constant 0.000000e+00 : f32
        %max3A_157 = vector.broadcast %max3A_156 : f32 to vector<16xf32>
        %max3A_158 = arith.maximumf %add3A_155, %max3A_157 : vector<16xf32>
        %swap3A_159 = arith.index_cast %add3A_64 : i32 to index
        %swap3A_160 = arith.constant 80 : index
        %swap3A_161 = tpu.vector_load %arg9[%swap3A_159, %swap3A_160] {strides = array<i32>} : memref<80x128xf32, #tpu.memory_space<vmem>>, vector<1x16xf32>,
        %swap3A_162 = vector.shape_cast %swap3A_161 : vector<1x16xf32> to vector<16xf32>
        %swap3A_163 = vector.shape_cast %max3A_158 : vector<16xf32> to vector<1x16xf32>
        tpu.vector_store %arg9[%swap3A_159, %swap3A_160], %swap3A_163 {strides = array<i32>} : memref<80x128xf32, #tpu.memory_space<vmem>>, vector<1x16xf32>,
        %get3A_164 = arith.index_cast %add3A_64 : i32 to index
        %get3A_165 = arith.constant 96 : index
        %get3A_166 = tpu.vector_load %arg9[%get3A_164, %get3A_165] {strides = array<i32>} : memref<80x128xf32, #tpu.memory_space<vmem>>, vector<1x16xf32>,
        %get3A_167 = vector.shape_cast %get3A_166 : vector<1x16xf32> to vector<16xf32>
        %get3A_168 = arith.index_cast %add3A_64 : i32 to index
        %get3A_169 = arith.constant 96 : index
        %get3A_170 = tpu.vector_load %arg10[%get3A_168, %get3A_169] {strides = array<i32>} : memref<80x128xf32, #tpu.memory_space<vmem>>, vector<1x16xf32>,
        %get3A_171 = vector.shape_cast %get3A_170 : vector<1x16xf32> to vector<16xf32>
        %add3A_172 = arith.addf %get3A_167, %get3A_171 : vector<16xf32>
        %max3A_173 = arith.constant 0.000000e+00 : f32
        %max3A_174 = vector.broadcast %max3A_173 : f32 to vector<16xf32>
        %max3A_175 = arith.maximumf %add3A_172, %max3A_174 : vector<16xf32>
        %swap3A_176 = arith.index_cast %add3A_64 : i32 to index
        %swap3A_177 = arith.constant 96 : index
        %swap3A_178 = tpu.vector_load %arg9[%swap3A_176, %swap3A_177] {strides = array<i32>} : memref<80x128xf32, #tpu.memory_space<vmem>>, vector<1x16xf32>,
        %swap3A_179 = vector.shape_cast %swap3A_178 : vector<1x16xf32> to vector<16xf32>
        %swap3A_180 = vector.shape_cast %max3A_175 : vector<16xf32> to vector<1x16xf32>
        tpu.vector_store %arg9[%swap3A_176, %swap3A_177], %swap3A_180 {strides = array<i32>} : memref<80x128xf32, #tpu.memory_space<vmem>>, vector<1x16xf32>,
        %get3A_181 = arith.index_cast %add3A_64 : i32 to index
        %get3A_182 = arith.constant 112 : index
        %get3A_183 = tpu.vector_load %arg9[%get3A_181, %get3A_182] {strides = array<i32>} : memref<80x128xf32, #tpu.memory_space<vmem>>, vector<1x16xf32>,
        %get3A_184 = vector.shape_cast %get3A_183 : vector<1x16xf32> to vector<16xf32>
        %get3A_185 = arith.index_cast %add3A_64 : i32 to index
        %get3A_186 = arith.constant 112 : index
        %get3A_187 = tpu.vector_load %arg10[%get3A_185, %get3A_186] {strides = array<i32>} : memref<80x128xf32, #tpu.memory_space<vmem>>, vector<1x16xf32>,
        %get3A_188 = vector.shape_cast %get3A_187 : vector<1x16xf32> to vector<16xf32>
        %add3A_189 = arith.addf %get3A_184, %get3A_188 : vector<16xf32>
        %max3A_190 = arith.constant 0.000000e+00 : f32
        %max3A_191 = vector.broadcast %max3A_190 : f32 to vector<16xf32>
        %max3A_192 = arith.maximumf %add3A_189, %max3A_191 : vector<16xf32>
        %swap3A_193 = arith.index_cast %add3A_64 : i32 to index
        %swap3A_194 = arith.constant 112 : index
        %swap3A_195 = tpu.vector_load %arg9[%swap3A_193, %swap3A_194] {strides = array<i32>} : memref<80x128xf32, #tpu.memory_space<vmem>>, vector<1x16xf32>,
        %swap3A_196 = vector.shape_cast %swap3A_195 : vector<1x16xf32> to vector<16xf32>
        %swap3A_197 = vector.shape_cast %max3A_192 : vector<16xf32> to vector<1x16xf32>
        tpu.vector_store %arg9[%swap3A_193, %swap3A_194], %swap3A_197 {strides = array<i32>} : memref<80x128xf32, #tpu.memory_space<vmem>>, vector<1x16xf32>,
      }
      %scan3A_56 = arith.constant 80 : i32
      %mul3A_57 = arith.constant 80 : i32
      %mul3A_58 = arith.muli %add3A_30, %mul3A_57 : i32
      %add3A_59 = arith.addi %select_n3A_11, %mul3A_58 : i32
      %multiple_of3A = tpu.assume_multiple %add3A_59, 8 : i32
      "tpu.region"() ({
        %run_scoped3A = tpu.sem_alloc : memref<!tpu.dma_semaphore, #tpu.memory_space<semaphore_mem>>
        %dma_start3A_60 = arith.constant 0 : i32
        %dma_start3A_61 = tpu.memref_slice %arg6[%multiple_of3A, %dma_start3A_60] : memref<10240x128xf32, #tpu.memory_space<hbm>> -> memref<80x128xf32, #tpu.memory_space<hbm>>
        %dma_start3A_62 = arith.constant 0 : i32
        %dma_start3A_63 = tpu.memref_slice %arg6[%multiple_of3A, %dma_start3A_62] : memref<10240x128xf32, #tpu.memory_space<hbm>> -> memref<80x128xf32, #tpu.memory_space<hbm>>
        tpu.enqueue_dma source(%arg9 : memref<80x128xf32, #tpu.memory_space<vmem>>) target(%dma_start3A_63 : memref<80x128xf32, #tpu.memory_space<hbm>>) target_semaphore(%run_scoped3A : memref<!tpu.dma_semaphore, #tpu.memory_space<semaphore_mem>>)
        %dma_wait3A_64 = arith.constant 0 : i32
        %dma_wait3A_65 = tpu.memref_slice %arg6[%multiple_of3A, %dma_wait3A_64] : memref<10240x128xf32, #tpu.memory_space<hbm>> -> memref<80x128xf32, #tpu.memory_space<hbm>>
        %dma_wait3A_66 = arith.constant 0 : i32
        %dma_wait3A_67 = tpu.memref_slice %arg6[%multiple_of3A, %dma_wait3A_66] : memref<10240x128xf32, #tpu.memory_space<hbm>> -> memref<80x128xf32, #tpu.memory_space<hbm>>
        tpu.wait_dma2 semaphore(%run_scoped3A : memref<!tpu.dma_semaphore, #tpu.memory_space<semaphore_mem>>) src(%arg9 : memref<80x128xf32, #tpu.memory_space<vmem>>) dst(%dma_wait3A_67 : memref<80x128xf32, #tpu.memory_space<hbm>>)
        tpu.yield
      }) : () -> ()
    }
    return
  }
}

#map = affine_map<(d0, d1) -> (0, 0)>
#map1 = affine_map<(d0, d1) -> (0, 0, 0)>
module attributes {stable_mosaic.version = 14 : i64} {
  func.func @_agg_body(%arg0: i32, %arg1: i32, %arg2: memref<10240x128xf32, #tpu.memory_space<hbm>>, %arg3: memref<32x90x128xi32, #tpu.memory_space<hbm>>, %arg4: memref<32x90x128xi32, #tpu.memory_space<hbm>>, %arg5: memref<2x10240x128xf32, #tpu.memory_space<hbm>>, %arg6: memref<90x128xi32, #tpu.memory_space<vmem>>, %arg7: memref<90x128xi32, #tpu.memory_space<vmem>>, %arg8: memref<128x128xf32, #tpu.memory_space<vmem>>, %arg9: memref<10240x128xf32, #tpu.memory_space<vmem_shared>>, %arg10: memref<!tpu.dma_semaphore, #tpu.memory_space<semaphore_mem>>) attributes {dimension_semantics = [#tpu.dimension_semantics<core_parallel>, #tpu.dimension_semantics<subcore_parallel>], iteration_bounds = array<i64: 2, 16>, scalar_prefetch = 0 : i64, scratch_operands = 5 : i64, tpu.core_type = #tpu.core_type<sc_vector_subcore>, window_params = [{transform_indices = #map}, {transform_indices = #map1}, {transform_indices = #map1}, {transform_indices = #map1}]} {
    %mul3A = arith.constant 2 : i32
    %mul3A_0 = arith.muli %arg1, %mul3A : i32
    %add3A = arith.addi %mul3A_0, %arg0 : i32
    "tpu.region"() ({
      %run_scoped3A = tpu.sem_alloc : memref<!tpu.dma_semaphore, #tpu.memory_space<semaphore_mem>>
      %dma_start3A = arith.constant 0 : i32
      %dma_start3A_66 = arith.constant 0 : i32
      %dma_start3A_67 = tpu.memref_slice %arg3[%add3A, %dma_start3A, %dma_start3A_66] : memref<32x90x128xi32, #tpu.memory_space<hbm>> -> memref<1x90x128xi32, #tpu.memory_space<hbm>>
      %dma_start3A_68 = tpu.memref_squeeze %dma_start3A_67 : memref<1x90x128xi32, #tpu.memory_space<hbm>> -> memref<90x128xi32, #tpu.memory_space<hbm>>
      %dma_start3A_69 = arith.constant 0 : i32
      %dma_start3A_70 = arith.constant 0 : i32
      %dma_start3A_71 = tpu.memref_slice %arg3[%add3A, %dma_start3A_69, %dma_start3A_70] : memref<32x90x128xi32, #tpu.memory_space<hbm>> -> memref<1x90x128xi32, #tpu.memory_space<hbm>>
      %dma_start3A_72 = tpu.memref_squeeze %dma_start3A_71 : memref<1x90x128xi32, #tpu.memory_space<hbm>> -> memref<90x128xi32, #tpu.memory_space<hbm>>
      tpu.enqueue_dma source(%dma_start3A_72 : memref<90x128xi32, #tpu.memory_space<hbm>>) target(%arg6 : memref<90x128xi32, #tpu.memory_space<vmem>>) target_semaphore(%run_scoped3A : memref<!tpu.dma_semaphore, #tpu.memory_space<semaphore_mem>>)
      %dma_wait3A = arith.constant 0 : i32
      %dma_wait3A_73 = arith.constant 0 : i32
      %dma_wait3A_74 = tpu.memref_slice %arg3[%add3A, %dma_wait3A, %dma_wait3A_73] : memref<32x90x128xi32, #tpu.memory_space<hbm>> -> memref<1x90x128xi32, #tpu.memory_space<hbm>>
      %dma_wait3A_75 = tpu.memref_squeeze %dma_wait3A_74 : memref<1x90x128xi32, #tpu.memory_space<hbm>> -> memref<90x128xi32, #tpu.memory_space<hbm>>
      %dma_wait3A_76 = arith.constant 0 : i32
      %dma_wait3A_77 = arith.constant 0 : i32
      %dma_wait3A_78 = tpu.memref_slice %arg3[%add3A, %dma_wait3A_76, %dma_wait3A_77] : memref<32x90x128xi32, #tpu.memory_space<hbm>> -> memref<1x90x128xi32, #tpu.memory_space<hbm>>
      %dma_wait3A_79 = tpu.memref_squeeze %dma_wait3A_78 : memref<1x90x128xi32, #tpu.memory_space<hbm>> -> memref<90x128xi32, #tpu.memory_space<hbm>>
      tpu.wait_dma2 semaphore(%run_scoped3A : memref<!tpu.dma_semaphore, #tpu.memory_space<semaphore_mem>>) src(%dma_wait3A_79 : memref<90x128xi32, #tpu.memory_space<hbm>>) dst(%arg6 : memref<90x128xi32, #tpu.memory_space<vmem>>)
      tpu.yield
    }) : () -> ()
    "tpu.region"() ({
      %run_scoped3A = tpu.sem_alloc : memref<!tpu.dma_semaphore, #tpu.memory_space<semaphore_mem>>
      %dma_start3A = arith.constant 0 : i32
      %dma_start3A_66 = arith.constant 0 : i32
      %dma_start3A_67 = tpu.memref_slice %arg4[%add3A, %dma_start3A, %dma_start3A_66] : memref<32x90x128xi32, #tpu.memory_space<hbm>> -> memref<1x90x128xi32, #tpu.memory_space<hbm>>
      %dma_start3A_68 = tpu.memref_squeeze %dma_start3A_67 : memref<1x90x128xi32, #tpu.memory_space<hbm>> -> memref<90x128xi32, #tpu.memory_space<hbm>>
      %dma_start3A_69 = arith.constant 0 : i32
      %dma_start3A_70 = arith.constant 0 : i32
      %dma_start3A_71 = tpu.memref_slice %arg4[%add3A, %dma_start3A_69, %dma_start3A_70] : memref<32x90x128xi32, #tpu.memory_space<hbm>> -> memref<1x90x128xi32, #tpu.memory_space<hbm>>
      %dma_start3A_72 = tpu.memref_squeeze %dma_start3A_71 : memref<1x90x128xi32, #tpu.memory_space<hbm>> -> memref<90x128xi32, #tpu.memory_space<hbm>>
      tpu.enqueue_dma source(%dma_start3A_72 : memref<90x128xi32, #tpu.memory_space<hbm>>) target(%arg7 : memref<90x128xi32, #tpu.memory_space<vmem>>) target_semaphore(%run_scoped3A : memref<!tpu.dma_semaphore, #tpu.memory_space<semaphore_mem>>)
      %dma_wait3A = arith.constant 0 : i32
      %dma_wait3A_73 = arith.constant 0 : i32
      %dma_wait3A_74 = tpu.memref_slice %arg4[%add3A, %dma_wait3A, %dma_wait3A_73] : memref<32x90x128xi32, #tpu.memory_space<hbm>> -> memref<1x90x128xi32, #tpu.memory_space<hbm>>
      %dma_wait3A_75 = tpu.memref_squeeze %dma_wait3A_74 : memref<1x90x128xi32, #tpu.memory_space<hbm>> -> memref<90x128xi32, #tpu.memory_space<hbm>>
      %dma_wait3A_76 = arith.constant 0 : i32
      %dma_wait3A_77 = arith.constant 0 : i32
      %dma_wait3A_78 = tpu.memref_slice %arg4[%add3A, %dma_wait3A_76, %dma_wait3A_77] : memref<32x90x128xi32, #tpu.memory_space<hbm>> -> memref<1x90x128xi32, #tpu.memory_space<hbm>>
      %dma_wait3A_79 = tpu.memref_squeeze %dma_wait3A_78 : memref<1x90x128xi32, #tpu.memory_space<hbm>> -> memref<90x128xi32, #tpu.memory_space<hbm>>
      tpu.wait_dma2 semaphore(%run_scoped3A : memref<!tpu.dma_semaphore, #tpu.memory_space<semaphore_mem>>) src(%dma_wait3A_79 : memref<90x128xi32, #tpu.memory_space<hbm>>) dst(%arg7 : memref<90x128xi32, #tpu.memory_space<vmem>>)
      tpu.yield
    }) : () -> ()
    %scan3A = arith.constant 0 : i32
    %scan3A_1 = arith.constant 128 : i32
    %scan3A_2 = arith.addi %scan3A, %scan3A_1 : i32
    %scan3A_3 = arith.constant 1 : i32
    scf.for %scan3A_66 = %scan3A to %scan3A_2 step %scan3A_3  : i32 {
      %mul3A_67 = arith.constant 1 : i32
      %mul3A_68 = arith.muli %scan3A_66, %mul3A_67 : i32
      %add3A_69 = arith.constant 0 : i32
      %add3A_70 = arith.addi %add3A_69, %mul3A_68 : i32
      %broadcast_in_dim3A = arith.constant 0.000000e+00 : f32
      %broadcast_in_dim3A_71 = vector.broadcast %broadcast_in_dim3A : f32 to vector<16xf32>
      %swap3A = arith.index_cast %add3A_70 : i32 to index
      %swap3A_72 = arith.constant 0 : index
      %swap3A_73 = tpu.vector_load %arg8[%swap3A, %swap3A_72] {strides = array<i32>} : memref<128x128xf32, #tpu.memory_space<vmem>>, vector<1x16xf32>,
      %swap3A_74 = vector.shape_cast %swap3A_73 : vector<1x16xf32> to vector<16xf32>
      %swap3A_75 = vector.shape_cast %broadcast_in_dim3A_71 : vector<16xf32> to vector<1x16xf32>
      tpu.vector_store %arg8[%swap3A, %swap3A_72], %swap3A_75 {strides = array<i32>} : memref<128x128xf32, #tpu.memory_space<vmem>>, vector<1x16xf32>,
      %broadcast_in_dim3A_76 = arith.constant 0.000000e+00 : f32
      %broadcast_in_dim3A_77 = vector.broadcast %broadcast_in_dim3A_76 : f32 to vector<16xf32>
      %swap3A_78 = arith.index_cast %add3A_70 : i32 to index
      %swap3A_79 = arith.constant 16 : index
      %swap3A_80 = tpu.vector_load %arg8[%swap3A_78, %swap3A_79] {strides = array<i32>} : memref<128x128xf32, #tpu.memory_space<vmem>>, vector<1x16xf32>,
      %swap3A_81 = vector.shape_cast %swap3A_80 : vector<1x16xf32> to vector<16xf32>
      %swap3A_82 = vector.shape_cast %broadcast_in_dim3A_77 : vector<16xf32> to vector<1x16xf32>
      tpu.vector_store %arg8[%swap3A_78, %swap3A_79], %swap3A_82 {strides = array<i32>} : memref<128x128xf32, #tpu.memory_space<vmem>>, vector<1x16xf32>,
      %broadcast_in_dim3A_83 = arith.constant 0.000000e+00 : f32
      %broadcast_in_dim3A_84 = vector.broadcast %broadcast_in_dim3A_83 : f32 to vector<16xf32>
      %swap3A_85 = arith.index_cast %add3A_70 : i32 to index
      %swap3A_86 = arith.constant 32 : index
      %swap3A_87 = tpu.vector_load %arg8[%swap3A_85, %swap3A_86] {strides = array<i32>} : memref<128x128xf32, #tpu.memory_space<vmem>>, vector<1x16xf32>,
      %swap3A_88 = vector.shape_cast %swap3A_87 : vector<1x16xf32> to vector<16xf32>
      %swap3A_89 = vector.shape_cast %broadcast_in_dim3A_84 : vector<16xf32> to vector<1x16xf32>
      tpu.vector_store %arg8[%swap3A_85, %swap3A_86], %swap3A_89 {strides = array<i32>} : memref<128x128xf32, #tpu.memory_space<vmem>>, vector<1x16xf32>,
      %broadcast_in_dim3A_90 = arith.constant 0.000000e+00 : f32
      %broadcast_in_dim3A_91 = vector.broadcast %broadcast_in_dim3A_90 : f32 to vector<16xf32>
      %swap3A_92 = arith.index_cast %add3A_70 : i32 to index
      %swap3A_93 = arith.constant 48 : index
      %swap3A_94 = tpu.vector_load %arg8[%swap3A_92, %swap3A_93] {strides = array<i32>} : memref<128x128xf32, #tpu.memory_space<vmem>>, vector<1x16xf32>,
      %swap3A_95 = vector.shape_cast %swap3A_94 : vector<1x16xf32> to vector<16xf32>
      %swap3A_96 = vector.shape_cast %broadcast_in_dim3A_91 : vector<16xf32> to vector<1x16xf32>
      tpu.vector_store %arg8[%swap3A_92, %swap3A_93], %swap3A_96 {strides = array<i32>} : memref<128x128xf32, #tpu.memory_space<vmem>>, vector<1x16xf32>,
      %broadcast_in_dim3A_97 = arith.constant 0.000000e+00 : f32
      %broadcast_in_dim3A_98 = vector.broadcast %broadcast_in_dim3A_97 : f32 to vector<16xf32>
      %swap3A_99 = arith.index_cast %add3A_70 : i32 to index
      %swap3A_100 = arith.constant 64 : index
      %swap3A_101 = tpu.vector_load %arg8[%swap3A_99, %swap3A_100] {strides = array<i32>} : memref<128x128xf32, #tpu.memory_space<vmem>>, vector<1x16xf32>,
      %swap3A_102 = vector.shape_cast %swap3A_101 : vector<1x16xf32> to vector<16xf32>
      %swap3A_103 = vector.shape_cast %broadcast_in_dim3A_98 : vector<16xf32> to vector<1x16xf32>
      tpu.vector_store %arg8[%swap3A_99, %swap3A_100], %swap3A_103 {strides = array<i32>} : memref<128x128xf32, #tpu.memory_space<vmem>>, vector<1x16xf32>,
      %broadcast_in_dim3A_104 = arith.constant 0.000000e+00 : f32
      %broadcast_in_dim3A_105 = vector.broadcast %broadcast_in_dim3A_104 : f32 to vector<16xf32>
      %swap3A_106 = arith.index_cast %add3A_70 : i32 to index
      %swap3A_107 = arith.constant 80 : index
      %swap3A_108 = tpu.vector_load %arg8[%swap3A_106, %swap3A_107] {strides = array<i32>} : memref<128x128xf32, #tpu.memory_space<vmem>>, vector<1x16xf32>,
      %swap3A_109 = vector.shape_cast %swap3A_108 : vector<1x16xf32> to vector<16xf32>
      %swap3A_110 = vector.shape_cast %broadcast_in_dim3A_105 : vector<16xf32> to vector<1x16xf32>
      tpu.vector_store %arg8[%swap3A_106, %swap3A_107], %swap3A_110 {strides = array<i32>} : memref<128x128xf32, #tpu.memory_space<vmem>>, vector<1x16xf32>,
      %broadcast_in_dim3A_111 = arith.constant 0.000000e+00 : f32
      %broadcast_in_dim3A_112 = vector.broadcast %broadcast_in_dim3A_111 : f32 to vector<16xf32>
      %swap3A_113 = arith.index_cast %add3A_70 : i32 to index
      %swap3A_114 = arith.constant 96 : index
      %swap3A_115 = tpu.vector_load %arg8[%swap3A_113, %swap3A_114] {strides = array<i32>} : memref<128x128xf32, #tpu.memory_space<vmem>>, vector<1x16xf32>,
      %swap3A_116 = vector.shape_cast %swap3A_115 : vector<1x16xf32> to vector<16xf32>
      %swap3A_117 = vector.shape_cast %broadcast_in_dim3A_112 : vector<16xf32> to vector<1x16xf32>
      tpu.vector_store %arg8[%swap3A_113, %swap3A_114], %swap3A_117 {strides = array<i32>} : memref<128x128xf32, #tpu.memory_space<vmem>>, vector<1x16xf32>,
      %broadcast_in_dim3A_118 = arith.constant 0.000000e+00 : f32
      %broadcast_in_dim3A_119 = vector.broadcast %broadcast_in_dim3A_118 : f32 to vector<16xf32>
      %swap3A_120 = arith.index_cast %add3A_70 : i32 to index
      %swap3A_121 = arith.constant 112 : index
      %swap3A_122 = tpu.vector_load %arg8[%swap3A_120, %swap3A_121] {strides = array<i32>} : memref<128x128xf32, #tpu.memory_space<vmem>>, vector<1x16xf32>,
      %swap3A_123 = vector.shape_cast %swap3A_122 : vector<1x16xf32> to vector<16xf32>
      %swap3A_124 = vector.shape_cast %broadcast_in_dim3A_119 : vector<16xf32> to vector<1x16xf32>
      tpu.vector_store %arg8[%swap3A_120, %swap3A_121], %swap3A_124 {strides = array<i32>} : memref<128x128xf32, #tpu.memory_space<vmem>>, vector<1x16xf32>,
    }
    %scan3A_4 = arith.constant 128 : i32
    %mul3A_5 = arith.constant 640 : i32
    %mul3A_6 = arith.muli %arg1, %mul3A_5 : i32
    %add3A_7 = arith.constant 0 : i32
    %add3A_8 = arith.addi %mul3A_6, %add3A_7 : i32
    "tpu.region"() ({
      %run_scoped3A = tpu.sem_alloc : memref<!tpu.dma_semaphore, #tpu.memory_space<semaphore_mem>>
      %dma_start3A = arith.constant 0 : i32
      %dma_start3A_66 = tpu.memref_slice %arg9[%add3A_8, %dma_start3A] : memref<10240x128xf32, #tpu.memory_space<vmem_shared>> -> memref<128x128xf32, #tpu.memory_space<vmem_shared>>
      %dma_start3A_67 = arith.constant 0 : i32
      %dma_start3A_68 = tpu.memref_slice %arg9[%add3A_8, %dma_start3A_67] : memref<10240x128xf32, #tpu.memory_space<vmem_shared>> -> memref<128x128xf32, #tpu.memory_space<vmem_shared>>
      tpu.enqueue_dma source(%arg8 : memref<128x128xf32, #tpu.memory_space<vmem>>) target(%dma_start3A_68 : memref<128x128xf32, #tpu.memory_space<vmem_shared>>) target_semaphore(%run_scoped3A : memref<!tpu.dma_semaphore, #tpu.memory_space<semaphore_mem>>)
      %dma_wait3A = arith.constant 0 : i32
      %dma_wait3A_69 = tpu.memref_slice %arg9[%add3A_8, %dma_wait3A] : memref<10240x128xf32, #tpu.memory_space<vmem_shared>> -> memref<128x128xf32, #tpu.memory_space<vmem_shared>>
      %dma_wait3A_70 = arith.constant 0 : i32
      %dma_wait3A_71 = tpu.memref_slice %arg9[%add3A_8, %dma_wait3A_70] : memref<10240x128xf32, #tpu.memory_space<vmem_shared>> -> memref<128x128xf32, #tpu.memory_space<vmem_shared>>
      tpu.wait_dma2 semaphore(%run_scoped3A : memref<!tpu.dma_semaphore, #tpu.memory_space<semaphore_mem>>) src(%arg8 : memref<128x128xf32, #tpu.memory_space<vmem>>) dst(%dma_wait3A_71 : memref<128x128xf32, #tpu.memory_space<vmem_shared>>)
      tpu.yield
    }) : () -> ()
    %mul3A_9 = arith.constant 640 : i32
    %mul3A_10 = arith.muli %arg1, %mul3A_9 : i32
    %add3A_11 = arith.constant 128 : i32
    %add3A_12 = arith.addi %mul3A_10, %add3A_11 : i32
    "tpu.region"() ({
      %run_scoped3A = tpu.sem_alloc : memref<!tpu.dma_semaphore, #tpu.memory_space<semaphore_mem>>
      %dma_start3A = arith.constant 0 : i32
      %dma_start3A_66 = tpu.memref_slice %arg9[%add3A_12, %dma_start3A] : memref<10240x128xf32, #tpu.memory_space<vmem_shared>> -> memref<128x128xf32, #tpu.memory_space<vmem_shared>>
      %dma_start3A_67 = arith.constant 0 : i32
      %dma_start3A_68 = tpu.memref_slice %arg9[%add3A_12, %dma_start3A_67] : memref<10240x128xf32, #tpu.memory_space<vmem_shared>> -> memref<128x128xf32, #tpu.memory_space<vmem_shared>>
      tpu.enqueue_dma source(%arg8 : memref<128x128xf32, #tpu.memory_space<vmem>>) target(%dma_start3A_68 : memref<128x128xf32, #tpu.memory_space<vmem_shared>>) target_semaphore(%run_scoped3A : memref<!tpu.dma_semaphore, #tpu.memory_space<semaphore_mem>>)
      %dma_wait3A = arith.constant 0 : i32
      %dma_wait3A_69 = tpu.memref_slice %arg9[%add3A_12, %dma_wait3A] : memref<10240x128xf32, #tpu.memory_space<vmem_shared>> -> memref<128x128xf32, #tpu.memory_space<vmem_shared>>
      %dma_wait3A_70 = arith.constant 0 : i32
      %dma_wait3A_71 = tpu.memref_slice %arg9[%add3A_12, %dma_wait3A_70] : memref<10240x128xf32, #tpu.memory_space<vmem_shared>> -> memref<128x128xf32, #tpu.memory_space<vmem_shared>>
      tpu.wait_dma2 semaphore(%run_scoped3A : memref<!tpu.dma_semaphore, #tpu.memory_space<semaphore_mem>>) src(%arg8 : memref<128x128xf32, #tpu.memory_space<vmem>>) dst(%dma_wait3A_71 : memref<128x128xf32, #tpu.memory_space<vmem_shared>>)
      tpu.yield
    }) : () -> ()
    %mul3A_13 = arith.constant 640 : i32
    %mul3A_14 = arith.muli %arg1, %mul3A_13 : i32
    %add3A_15 = arith.constant 256 : i32
    %add3A_16 = arith.addi %mul3A_14, %add3A_15 : i32
    "tpu.region"() ({
      %run_scoped3A = tpu.sem_alloc : memref<!tpu.dma_semaphore, #tpu.memory_space<semaphore_mem>>
      %dma_start3A = arith.constant 0 : i32
      %dma_start3A_66 = tpu.memref_slice %arg9[%add3A_16, %dma_start3A] : memref<10240x128xf32, #tpu.memory_space<vmem_shared>> -> memref<128x128xf32, #tpu.memory_space<vmem_shared>>
      %dma_start3A_67 = arith.constant 0 : i32
      %dma_start3A_68 = tpu.memref_slice %arg9[%add3A_16, %dma_start3A_67] : memref<10240x128xf32, #tpu.memory_space<vmem_shared>> -> memref<128x128xf32, #tpu.memory_space<vmem_shared>>
      tpu.enqueue_dma source(%arg8 : memref<128x128xf32, #tpu.memory_space<vmem>>) target(%dma_start3A_68 : memref<128x128xf32, #tpu.memory_space<vmem_shared>>) target_semaphore(%run_scoped3A : memref<!tpu.dma_semaphore, #tpu.memory_space<semaphore_mem>>)
      %dma_wait3A = arith.constant 0 : i32
      %dma_wait3A_69 = tpu.memref_slice %arg9[%add3A_16, %dma_wait3A] : memref<10240x128xf32, #tpu.memory_space<vmem_shared>> -> memref<128x128xf32, #tpu.memory_space<vmem_shared>>
      %dma_wait3A_70 = arith.constant 0 : i32
      %dma_wait3A_71 = tpu.memref_slice %arg9[%add3A_16, %dma_wait3A_70] : memref<10240x128xf32, #tpu.memory_space<vmem_shared>> -> memref<128x128xf32, #tpu.memory_space<vmem_shared>>
      tpu.wait_dma2 semaphore(%run_scoped3A : memref<!tpu.dma_semaphore, #tpu.memory_space<semaphore_mem>>) src(%arg8 : memref<128x128xf32, #tpu.memory_space<vmem>>) dst(%dma_wait3A_71 : memref<128x128xf32, #tpu.memory_space<vmem_shared>>)
      tpu.yield
    }) : () -> ()
    %mul3A_17 = arith.constant 640 : i32
    %mul3A_18 = arith.muli %arg1, %mul3A_17 : i32
    %add3A_19 = arith.constant 384 : i32
    %add3A_20 = arith.addi %mul3A_18, %add3A_19 : i32
    "tpu.region"() ({
      %run_scoped3A = tpu.sem_alloc : memref<!tpu.dma_semaphore, #tpu.memory_space<semaphore_mem>>
      %dma_start3A = arith.constant 0 : i32
      %dma_start3A_66 = tpu.memref_slice %arg9[%add3A_20, %dma_start3A] : memref<10240x128xf32, #tpu.memory_space<vmem_shared>> -> memref<128x128xf32, #tpu.memory_space<vmem_shared>>
      %dma_start3A_67 = arith.constant 0 : i32
      %dma_start3A_68 = tpu.memref_slice %arg9[%add3A_20, %dma_start3A_67] : memref<10240x128xf32, #tpu.memory_space<vmem_shared>> -> memref<128x128xf32, #tpu.memory_space<vmem_shared>>
      tpu.enqueue_dma source(%arg8 : memref<128x128xf32, #tpu.memory_space<vmem>>) target(%dma_start3A_68 : memref<128x128xf32, #tpu.memory_space<vmem_shared>>) target_semaphore(%run_scoped3A : memref<!tpu.dma_semaphore, #tpu.memory_space<semaphore_mem>>)
      %dma_wait3A = arith.constant 0 : i32
      %dma_wait3A_69 = tpu.memref_slice %arg9[%add3A_20, %dma_wait3A] : memref<10240x128xf32, #tpu.memory_space<vmem_shared>> -> memref<128x128xf32, #tpu.memory_space<vmem_shared>>
      %dma_wait3A_70 = arith.constant 0 : i32
      %dma_wait3A_71 = tpu.memref_slice %arg9[%add3A_20, %dma_wait3A_70] : memref<10240x128xf32, #tpu.memory_space<vmem_shared>> -> memref<128x128xf32, #tpu.memory_space<vmem_shared>>
      tpu.wait_dma2 semaphore(%run_scoped3A : memref<!tpu.dma_semaphore, #tpu.memory_space<semaphore_mem>>) src(%arg8 : memref<128x128xf32, #tpu.memory_space<vmem>>) dst(%dma_wait3A_71 : memref<128x128xf32, #tpu.memory_space<vmem_shared>>)
      tpu.yield
    }) : () -> ()
    %mul3A_21 = arith.constant 640 : i32
    %mul3A_22 = arith.muli %arg1, %mul3A_21 : i32
    %add3A_23 = arith.constant 512 : i32
    %add3A_24 = arith.addi %mul3A_22, %add3A_23 : i32
    "tpu.region"() ({
      %run_scoped3A = tpu.sem_alloc : memref<!tpu.dma_semaphore, #tpu.memory_space<semaphore_mem>>
      %dma_start3A = arith.constant 0 : i32
      %dma_start3A_66 = tpu.memref_slice %arg9[%add3A_24, %dma_start3A] : memref<10240x128xf32, #tpu.memory_space<vmem_shared>> -> memref<128x128xf32, #tpu.memory_space<vmem_shared>>
      %dma_start3A_67 = arith.constant 0 : i32
      %dma_start3A_68 = tpu.memref_slice %arg9[%add3A_24, %dma_start3A_67] : memref<10240x128xf32, #tpu.memory_space<vmem_shared>> -> memref<128x128xf32, #tpu.memory_space<vmem_shared>>
      tpu.enqueue_dma source(%arg8 : memref<128x128xf32, #tpu.memory_space<vmem>>) target(%dma_start3A_68 : memref<128x128xf32, #tpu.memory_space<vmem_shared>>) target_semaphore(%run_scoped3A : memref<!tpu.dma_semaphore, #tpu.memory_space<semaphore_mem>>)
      %dma_wait3A = arith.constant 0 : i32
      %dma_wait3A_69 = tpu.memref_slice %arg9[%add3A_24, %dma_wait3A] : memref<10240x128xf32, #tpu.memory_space<vmem_shared>> -> memref<128x128xf32, #tpu.memory_space<vmem_shared>>
      %dma_wait3A_70 = arith.constant 0 : i32
      %dma_wait3A_71 = tpu.memref_slice %arg9[%add3A_24, %dma_wait3A_70] : memref<10240x128xf32, #tpu.memory_space<vmem_shared>> -> memref<128x128xf32, #tpu.memory_space<vmem_shared>>
      tpu.wait_dma2 semaphore(%run_scoped3A : memref<!tpu.dma_semaphore, #tpu.memory_space<semaphore_mem>>) src(%arg8 : memref<128x128xf32, #tpu.memory_space<vmem>>) dst(%dma_wait3A_71 : memref<128x128xf32, #tpu.memory_space<vmem_shared>>)
      tpu.yield
    }) : () -> ()
    %barrier3A = arith.constant 0 : index
    tpu.barrier barrier_id(%barrier3A)
    %eq3A = arith.constant 0 : i32
    %eq3A_25 = arith.cmpi eq, %arg0, %eq3A : i32
    %jit3A = arith.constant 90 : i32
    %jit3A_26 = arith.constant 67 : i32
    %select_n3A = arith.select %eq3A_25, %jit3A, %jit3A_26 : i32
    %sub3A = arith.constant 0 : i32
    %sub3A_27 = arith.subi %select_n3A, %sub3A : i32
    %sub3A_28 = arith.constant 1 : i32
    %sub3A_29 = arith.constant 1 : i32
    %sub3A_30 = arith.subi %sub3A_28, %sub3A_29 : i32
    %add3A_31 = arith.addi %sub3A_27, %sub3A_30 : i32
    %div3A = arith.constant 1 : i32
    %div3A_32 = arith.divsi %add3A_31, %div3A : i32
    %while3A = arith.constant 1 : i32
    %while3A_33 = arith.constant 0 : i32
    %while3A_34 = arith.constant 0 : i32
    %while3A_35 = arith.subi %div3A_32, %while3A_34 : i32
    %while3A_36 = arith.addi %while3A_34, %while3A_35 : i32
    %while3A_37 = arith.constant 1 : i32
    %while3A_38 = arith.divsi %while3A_35, %while3A_37 : i32
    %while3A_39 = arith.muli %while3A_38, %while3A_37 : i32
    %while3A_40 = arith.addi %while3A_34, %while3A_39 : i32
    %while3A_41 = arith.constant 1 : i32
    scf.for %while3A_66 = %while3A_34 to %while3A_40 step %while3A_41  : i32 {
      %mul3A_67 = arith.muli %while3A_66, %while3A : i32
      %add3A_68 = arith.addi %while3A_33, %mul3A_67 : i32
      %dma_start3A = arith.constant 0 : i32
      %dma_start3A_69 = tpu.memref_slice %arg6[%add3A_68, %dma_start3A] : memref<90x128xi32, #tpu.memory_space<vmem>> -> memref<1x128xi32, #tpu.memory_space<vmem>>
      %dma_start3A_70 = tpu.memref_squeeze %dma_start3A_69 : memref<1x128xi32, #tpu.memory_space<vmem>> -> memref<128xi32, #tpu.memory_space<vmem>>
      %dma_start3A_71 = arith.constant 0 : i32
      %dma_start3A_72 = arith.constant 0 : i32
      %dma_start3A_73 = tpu.memref_slice %arg2[%dma_start3A_71, %dma_start3A_72] : memref<10240x128xf32, #tpu.memory_space<hbm>> -> memref<10240x128xf32, #tpu.memory_space<hbm>>
      tpu.enqueue_indirect_dma source(%dma_start3A_73 : memref<10240x128xf32, #tpu.memory_space<hbm>>) target(%arg8 : memref<128x128xf32, #tpu.memory_space<vmem>>) offsets(%dma_start3A_70 : memref<128xi32, #tpu.memory_space<vmem>>) semaphore(%arg10 : memref<!tpu.dma_semaphore, #tpu.memory_space<semaphore_mem>>)
      %dma_wait3A = arith.constant 0 : i32
      %dma_wait3A_74 = tpu.memref_slice %arg6[%add3A_68, %dma_wait3A] : memref<90x128xi32, #tpu.memory_space<vmem>> -> memref<1x128xi32, #tpu.memory_space<vmem>>
      %dma_wait3A_75 = tpu.memref_squeeze %dma_wait3A_74 : memref<1x128xi32, #tpu.memory_space<vmem>> -> memref<128xi32, #tpu.memory_space<vmem>>
      %dma_wait3A_76 = arith.constant 0 : i32
      %dma_wait3A_77 = arith.constant 0 : i32
      %dma_wait3A_78 = tpu.memref_slice %arg2[%dma_wait3A_76, %dma_wait3A_77] : memref<10240x128xf32, #tpu.memory_space<hbm>> -> memref<10240x128xf32, #tpu.memory_space<hbm>>
      tpu.wait_indirect_dma semaphore(%arg10 : memref<!tpu.dma_semaphore, #tpu.memory_space<semaphore_mem>>) src(%dma_wait3A_78 : memref<10240x128xf32, #tpu.memory_space<hbm>>) dst(%arg8 : memref<128x128xf32, #tpu.memory_space<vmem>>)
      "tpu.region"() ({
        %run_scoped3A = tpu.sem_alloc : memref<!tpu.dma_semaphore, #tpu.memory_space<semaphore_mem>>
        %dma_start3A_79 = arith.constant 0 : i32
        %dma_start3A_80 = tpu.memref_slice %arg7[%add3A_68, %dma_start3A_79] : memref<90x128xi32, #tpu.memory_space<vmem>> -> memref<1x128xi32, #tpu.memory_space<vmem>>
        %dma_start3A_81 = tpu.memref_squeeze %dma_start3A_80 : memref<1x128xi32, #tpu.memory_space<vmem>> -> memref<128xi32, #tpu.memory_space<vmem>>
        %dma_start3A_82 = arith.constant 0 : i32
        %dma_start3A_83 = arith.constant 0 : i32
        %dma_start3A_84 = tpu.memref_slice %arg9[%dma_start3A_82, %dma_start3A_83] : memref<10240x128xf32, #tpu.memory_space<vmem_shared>> -> memref<10240x128xf32, #tpu.memory_space<vmem_shared>>
        tpu.enqueue_indirect_dma source(%arg8 : memref<128x128xf32, #tpu.memory_space<vmem>>) target(%dma_start3A_84 : memref<10240x128xf32, #tpu.memory_space<vmem_shared>>) offsets(%dma_start3A_81 : memref<128xi32, #tpu.memory_space<vmem>>) semaphore(%run_scoped3A : memref<!tpu.dma_semaphore, #tpu.memory_space<semaphore_mem>>) {add = true}
        %dma_wait3A_85 = arith.constant 0 : i32
        %dma_wait3A_86 = tpu.memref_slice %arg7[%add3A_68, %dma_wait3A_85] : memref<90x128xi32, #tpu.memory_space<vmem>> -> memref<1x128xi32, #tpu.memory_space<vmem>>
        %dma_wait3A_87 = tpu.memref_squeeze %dma_wait3A_86 : memref<1x128xi32, #tpu.memory_space<vmem>> -> memref<128xi32, #tpu.memory_space<vmem>>
        %dma_wait3A_88 = arith.constant 0 : i32
        %dma_wait3A_89 = arith.constant 0 : i32
        %dma_wait3A_90 = tpu.memref_slice %arg9[%dma_wait3A_88, %dma_wait3A_89] : memref<10240x128xf32, #tpu.memory_space<vmem_shared>> -> memref<10240x128xf32, #tpu.memory_space<vmem_shared>>
        tpu.wait_indirect_dma semaphore(%run_scoped3A : memref<!tpu.dma_semaphore, #tpu.memory_space<semaphore_mem>>) src(%arg8 : memref<128x128xf32, #tpu.memory_space<vmem>>) dst(%dma_wait3A_90 : memref<10240x128xf32, #tpu.memory_space<vmem_shared>>)
        tpu.yield
      }) : () -> ()
    }
    %while3A_42 = arith.constant 1 : i32
    scf.for %while3A_66 = %while3A_40 to %while3A_36 step %while3A_42  : i32 {
      %mul3A_67 = arith.muli %while3A_66, %while3A : i32
      %add3A_68 = arith.addi %while3A_33, %mul3A_67 : i32
      %dma_start3A = arith.constant 0 : i32
      %dma_start3A_69 = tpu.memref_slice %arg6[%add3A_68, %dma_start3A] : memref<90x128xi32, #tpu.memory_space<vmem>> -> memref<1x128xi32, #tpu.memory_space<vmem>>
      %dma_start3A_70 = tpu.memref_squeeze %dma_start3A_69 : memref<1x128xi32, #tpu.memory_space<vmem>> -> memref<128xi32, #tpu.memory_space<vmem>>
      %dma_start3A_71 = arith.constant 0 : i32
      %dma_start3A_72 = arith.constant 0 : i32
      %dma_start3A_73 = tpu.memref_slice %arg2[%dma_start3A_71, %dma_start3A_72] : memref<10240x128xf32, #tpu.memory_space<hbm>> -> memref<10240x128xf32, #tpu.memory_space<hbm>>
      tpu.enqueue_indirect_dma source(%dma_start3A_73 : memref<10240x128xf32, #tpu.memory_space<hbm>>) target(%arg8 : memref<128x128xf32, #tpu.memory_space<vmem>>) offsets(%dma_start3A_70 : memref<128xi32, #tpu.memory_space<vmem>>) semaphore(%arg10 : memref<!tpu.dma_semaphore, #tpu.memory_space<semaphore_mem>>)
      %dma_wait3A = arith.constant 0 : i32
      %dma_wait3A_74 = tpu.memref_slice %arg6[%add3A_68, %dma_wait3A] : memref<90x128xi32, #tpu.memory_space<vmem>> -> memref<1x128xi32, #tpu.memory_space<vmem>>
      %dma_wait3A_75 = tpu.memref_squeeze %dma_wait3A_74 : memref<1x128xi32, #tpu.memory_space<vmem>> -> memref<128xi32, #tpu.memory_space<vmem>>
      %dma_wait3A_76 = arith.constant 0 : i32
      %dma_wait3A_77 = arith.constant 0 : i32
      %dma_wait3A_78 = tpu.memref_slice %arg2[%dma_wait3A_76, %dma_wait3A_77] : memref<10240x128xf32, #tpu.memory_space<hbm>> -> memref<10240x128xf32, #tpu.memory_space<hbm>>
      tpu.wait_indirect_dma semaphore(%arg10 : memref<!tpu.dma_semaphore, #tpu.memory_space<semaphore_mem>>) src(%dma_wait3A_78 : memref<10240x128xf32, #tpu.memory_space<hbm>>) dst(%arg8 : memref<128x128xf32, #tpu.memory_space<vmem>>)
      "tpu.region"() ({
        %run_scoped3A = tpu.sem_alloc : memref<!tpu.dma_semaphore, #tpu.memory_space<semaphore_mem>>
        %dma_start3A_79 = arith.constant 0 : i32
        %dma_start3A_80 = tpu.memref_slice %arg7[%add3A_68, %dma_start3A_79] : memref<90x128xi32, #tpu.memory_space<vmem>> -> memref<1x128xi32, #tpu.memory_space<vmem>>
        %dma_start3A_81 = tpu.memref_squeeze %dma_start3A_80 : memref<1x128xi32, #tpu.memory_space<vmem>> -> memref<128xi32, #tpu.memory_space<vmem>>
        %dma_start3A_82 = arith.constant 0 : i32
        %dma_start3A_83 = arith.constant 0 : i32
        %dma_start3A_84 = tpu.memref_slice %arg9[%dma_start3A_82, %dma_start3A_83] : memref<10240x128xf32, #tpu.memory_space<vmem_shared>> -> memref<10240x128xf32, #tpu.memory_space<vmem_shared>>
        tpu.enqueue_indirect_dma source(%arg8 : memref<128x128xf32, #tpu.memory_space<vmem>>) target(%dma_start3A_84 : memref<10240x128xf32, #tpu.memory_space<vmem_shared>>) offsets(%dma_start3A_81 : memref<128xi32, #tpu.memory_space<vmem>>) semaphore(%run_scoped3A : memref<!tpu.dma_semaphore, #tpu.memory_space<semaphore_mem>>) {add = true}
        %dma_wait3A_85 = arith.constant 0 : i32
        %dma_wait3A_86 = tpu.memref_slice %arg7[%add3A_68, %dma_wait3A_85] : memref<90x128xi32, #tpu.memory_space<vmem>> -> memref<1x128xi32, #tpu.memory_space<vmem>>
        %dma_wait3A_87 = tpu.memref_squeeze %dma_wait3A_86 : memref<1x128xi32, #tpu.memory_space<vmem>> -> memref<128xi32, #tpu.memory_space<vmem>>
        %dma_wait3A_88 = arith.constant 0 : i32
        %dma_wait3A_89 = arith.constant 0 : i32
        %dma_wait3A_90 = tpu.memref_slice %arg9[%dma_wait3A_88, %dma_wait3A_89] : memref<10240x128xf32, #tpu.memory_space<vmem_shared>> -> memref<10240x128xf32, #tpu.memory_space<vmem_shared>>
        tpu.wait_indirect_dma semaphore(%run_scoped3A : memref<!tpu.dma_semaphore, #tpu.memory_space<semaphore_mem>>) src(%arg8 : memref<128x128xf32, #tpu.memory_space<vmem>>) dst(%dma_wait3A_90 : memref<10240x128xf32, #tpu.memory_space<vmem_shared>>)
        tpu.yield
      }) : () -> ()
    }
    %barrier3A_43 = arith.constant 0 : index
    tpu.barrier barrier_id(%barrier3A_43)
    %mul3A_44 = arith.constant 640 : i32
    %mul3A_45 = arith.muli %arg1, %mul3A_44 : i32
    %add3A_46 = arith.constant 0 : i32
    %add3A_47 = arith.addi %mul3A_45, %add3A_46 : i32
    "tpu.region"() ({
      %run_scoped3A = tpu.sem_alloc : memref<!tpu.dma_semaphore, #tpu.memory_space<semaphore_mem>>
      %dma_start3A = arith.constant 0 : i32
      %dma_start3A_66 = tpu.memref_slice %arg9[%add3A_47, %dma_start3A] : memref<10240x128xf32, #tpu.memory_space<vmem_shared>> -> memref<128x128xf32, #tpu.memory_space<vmem_shared>>
      %dma_start3A_67 = arith.constant 0 : i32
      %dma_start3A_68 = tpu.memref_slice %arg9[%add3A_47, %dma_start3A_67] : memref<10240x128xf32, #tpu.memory_space<vmem_shared>> -> memref<128x128xf32, #tpu.memory_space<vmem_shared>>
      tpu.enqueue_dma source(%dma_start3A_68 : memref<128x128xf32, #tpu.memory_space<vmem_shared>>) target(%arg8 : memref<128x128xf32, #tpu.memory_space<vmem>>) target_semaphore(%run_scoped3A : memref<!tpu.dma_semaphore, #tpu.memory_space<semaphore_mem>>)
      %dma_wait3A = arith.constant 0 : i32
      %dma_wait3A_69 = tpu.memref_slice %arg9[%add3A_47, %dma_wait3A] : memref<10240x128xf32, #tpu.memory_space<vmem_shared>> -> memref<128x128xf32, #tpu.memory_space<vmem_shared>>
      %dma_wait3A_70 = arith.constant 0 : i32
      %dma_wait3A_71 = tpu.memref_slice %arg9[%add3A_47, %dma_wait3A_70] : memref<10240x128xf32, #tpu.memory_space<vmem_shared>> -> memref<128x128xf32, #tpu.memory_space<vmem_shared>>
      tpu.wait_dma2 semaphore(%run_scoped3A : memref<!tpu.dma_semaphore, #tpu.memory_space<semaphore_mem>>) src(%dma_wait3A_71 : memref<128x128xf32, #tpu.memory_space<vmem_shared>>) dst(%arg8 : memref<128x128xf32, #tpu.memory_space<vmem>>)
      tpu.yield
    }) : () -> ()
    %add3A_48 = arith.constant 0 : i32
    %add3A_49 = arith.addi %mul3A_45, %add3A_48 : i32
    "tpu.region"() ({
      %run_scoped3A = tpu.sem_alloc : memref<!tpu.dma_semaphore, #tpu.memory_space<semaphore_mem>>
      %dma_start3A = arith.constant 0 : i32
      %dma_start3A_66 = tpu.memref_slice %arg5[%arg0, %add3A_49, %dma_start3A] : memref<2x10240x128xf32, #tpu.memory_space<hbm>> -> memref<1x128x128xf32, #tpu.memory_space<hbm>>
      %dma_start3A_67 = tpu.memref_squeeze %dma_start3A_66 : memref<1x128x128xf32, #tpu.memory_space<hbm>> -> memref<128x128xf32, #tpu.memory_space<hbm>>
      %dma_start3A_68 = arith.constant 0 : i32
      %dma_start3A_69 = tpu.memref_slice %arg5[%arg0, %add3A_49, %dma_start3A_68] : memref<2x10240x128xf32, #tpu.memory_space<hbm>> -> memref<1x128x128xf32, #tpu.memory_space<hbm>>
      %dma_start3A_70 = tpu.memref_squeeze %dma_start3A_69 : memref<1x128x128xf32, #tpu.memory_space<hbm>> -> memref<128x128xf32, #tpu.memory_space<hbm>>
      tpu.enqueue_dma source(%arg8 : memref<128x128xf32, #tpu.memory_space<vmem>>) target(%dma_start3A_70 : memref<128x128xf32, #tpu.memory_space<hbm>>) target_semaphore(%run_scoped3A : memref<!tpu.dma_semaphore, #tpu.memory_space<semaphore_mem>>)
      %dma_wait3A = arith.constant 0 : i32
      %dma_wait3A_71 = tpu.memref_slice %arg5[%arg0, %add3A_49, %dma_wait3A] : memref<2x10240x128xf32, #tpu.memory_space<hbm>> -> memref<1x128x128xf32, #tpu.memory_space<hbm>>
      %dma_wait3A_72 = tpu.memref_squeeze %dma_wait3A_71 : memref<1x128x128xf32, #tpu.memory_space<hbm>> -> memref<128x128xf32, #tpu.memory_space<hbm>>
      %dma_wait3A_73 = arith.constant 0 : i32
      %dma_wait3A_74 = tpu.memref_slice %arg5[%arg0, %add3A_49, %dma_wait3A_73] : memref<2x10240x128xf32, #tpu.memory_space<hbm>> -> memref<1x128x128xf32, #tpu.memory_space<hbm>>
      %dma_wait3A_75 = tpu.memref_squeeze %dma_wait3A_74 : memref<1x128x128xf32, #tpu.memory_space<hbm>> -> memref<128x128xf32, #tpu.memory_space<hbm>>
      tpu.wait_dma2 semaphore(%run_scoped3A : memref<!tpu.dma_semaphore, #tpu.memory_space<semaphore_mem>>) src(%arg8 : memref<128x128xf32, #tpu.memory_space<vmem>>) dst(%dma_wait3A_75 : memref<128x128xf32, #tpu.memory_space<hbm>>)
      tpu.yield
    }) : () -> ()
    %add3A_50 = arith.constant 128 : i32
    %add3A_51 = arith.addi %mul3A_45, %add3A_50 : i32
    "tpu.region"() ({
      %run_scoped3A = tpu.sem_alloc : memref<!tpu.dma_semaphore, #tpu.memory_space<semaphore_mem>>
      %dma_start3A = arith.constant 0 : i32
      %dma_start3A_66 = tpu.memref_slice %arg9[%add3A_51, %dma_start3A] : memref<10240x128xf32, #tpu.memory_space<vmem_shared>> -> memref<128x128xf32, #tpu.memory_space<vmem_shared>>
      %dma_start3A_67 = arith.constant 0 : i32
      %dma_start3A_68 = tpu.memref_slice %arg9[%add3A_51, %dma_start3A_67] : memref<10240x128xf32, #tpu.memory_space<vmem_shared>> -> memref<128x128xf32, #tpu.memory_space<vmem_shared>>
      tpu.enqueue_dma source(%dma_start3A_68 : memref<128x128xf32, #tpu.memory_space<vmem_shared>>) target(%arg8 : memref<128x128xf32, #tpu.memory_space<vmem>>) target_semaphore(%run_scoped3A : memref<!tpu.dma_semaphore, #tpu.memory_space<semaphore_mem>>)
      %dma_wait3A = arith.constant 0 : i32
      %dma_wait3A_69 = tpu.memref_slice %arg9[%add3A_51, %dma_wait3A] : memref<10240x128xf32, #tpu.memory_space<vmem_shared>> -> memref<128x128xf32, #tpu.memory_space<vmem_shared>>
      %dma_wait3A_70 = arith.constant 0 : i32
      %dma_wait3A_71 = tpu.memref_slice %arg9[%add3A_51, %dma_wait3A_70] : memref<10240x128xf32, #tpu.memory_space<vmem_shared>> -> memref<128x128xf32, #tpu.memory_space<vmem_shared>>
      tpu.wait_dma2 semaphore(%run_scoped3A : memref<!tpu.dma_semaphore, #tpu.memory_space<semaphore_mem>>) src(%dma_wait3A_71 : memref<128x128xf32, #tpu.memory_space<vmem_shared>>) dst(%arg8 : memref<128x128xf32, #tpu.memory_space<vmem>>)
      tpu.yield
    }) : () -> ()
    %add3A_52 = arith.constant 128 : i32
    %add3A_53 = arith.addi %mul3A_45, %add3A_52 : i32
    "tpu.region"() ({
      %run_scoped3A = tpu.sem_alloc : memref<!tpu.dma_semaphore, #tpu.memory_space<semaphore_mem>>
      %dma_start3A = arith.constant 0 : i32
      %dma_start3A_66 = tpu.memref_slice %arg5[%arg0, %add3A_53, %dma_start3A] : memref<2x10240x128xf32, #tpu.memory_space<hbm>> -> memref<1x128x128xf32, #tpu.memory_space<hbm>>
      %dma_start3A_67 = tpu.memref_squeeze %dma_start3A_66 : memref<1x128x128xf32, #tpu.memory_space<hbm>> -> memref<128x128xf32, #tpu.memory_space<hbm>>
      %dma_start3A_68 = arith.constant 0 : i32
      %dma_start3A_69 = tpu.memref_slice %arg5[%arg0, %add3A_53, %dma_start3A_68] : memref<2x10240x128xf32, #tpu.memory_space<hbm>> -> memref<1x128x128xf32, #tpu.memory_space<hbm>>
      %dma_start3A_70 = tpu.memref_squeeze %dma_start3A_69 : memref<1x128x128xf32, #tpu.memory_space<hbm>> -> memref<128x128xf32, #tpu.memory_space<hbm>>
      tpu.enqueue_dma source(%arg8 : memref<128x128xf32, #tpu.memory_space<vmem>>) target(%dma_start3A_70 : memref<128x128xf32, #tpu.memory_space<hbm>>) target_semaphore(%run_scoped3A : memref<!tpu.dma_semaphore, #tpu.memory_space<semaphore_mem>>)
      %dma_wait3A = arith.constant 0 : i32
      %dma_wait3A_71 = tpu.memref_slice %arg5[%arg0, %add3A_53, %dma_wait3A] : memref<2x10240x128xf32, #tpu.memory_space<hbm>> -> memref<1x128x128xf32, #tpu.memory_space<hbm>>
      %dma_wait3A_72 = tpu.memref_squeeze %dma_wait3A_71 : memref<1x128x128xf32, #tpu.memory_space<hbm>> -> memref<128x128xf32, #tpu.memory_space<hbm>>
      %dma_wait3A_73 = arith.constant 0 : i32
      %dma_wait3A_74 = tpu.memref_slice %arg5[%arg0, %add3A_53, %dma_wait3A_73] : memref<2x10240x128xf32, #tpu.memory_space<hbm>> -> memref<1x128x128xf32, #tpu.memory_space<hbm>>
      %dma_wait3A_75 = tpu.memref_squeeze %dma_wait3A_74 : memref<1x128x128xf32, #tpu.memory_space<hbm>> -> memref<128x128xf32, #tpu.memory_space<hbm>>
      tpu.wait_dma2 semaphore(%run_scoped3A : memref<!tpu.dma_semaphore, #tpu.memory_space<semaphore_mem>>) src(%arg8 : memref<128x128xf32, #tpu.memory_space<vmem>>) dst(%dma_wait3A_75 : memref<128x128xf32, #tpu.memory_space<hbm>>)
      tpu.yield
    }) : () -> ()
    %add3A_54 = arith.constant 256 : i32
    %add3A_55 = arith.addi %mul3A_45, %add3A_54 : i32
    "tpu.region"() ({
      %run_scoped3A = tpu.sem_alloc : memref<!tpu.dma_semaphore, #tpu.memory_space<semaphore_mem>>
      %dma_start3A = arith.constant 0 : i32
      %dma_start3A_66 = tpu.memref_slice %arg9[%add3A_55, %dma_start3A] : memref<10240x128xf32, #tpu.memory_space<vmem_shared>> -> memref<128x128xf32, #tpu.memory_space<vmem_shared>>
      %dma_start3A_67 = arith.constant 0 : i32
      %dma_start3A_68 = tpu.memref_slice %arg9[%add3A_55, %dma_start3A_67] : memref<10240x128xf32, #tpu.memory_space<vmem_shared>> -> memref<128x128xf32, #tpu.memory_space<vmem_shared>>
      tpu.enqueue_dma source(%dma_start3A_68 : memref<128x128xf32, #tpu.memory_space<vmem_shared>>) target(%arg8 : memref<128x128xf32, #tpu.memory_space<vmem>>) target_semaphore(%run_scoped3A : memref<!tpu.dma_semaphore, #tpu.memory_space<semaphore_mem>>)
      %dma_wait3A = arith.constant 0 : i32
      %dma_wait3A_69 = tpu.memref_slice %arg9[%add3A_55, %dma_wait3A] : memref<10240x128xf32, #tpu.memory_space<vmem_shared>> -> memref<128x128xf32, #tpu.memory_space<vmem_shared>>
      %dma_wait3A_70 = arith.constant 0 : i32
      %dma_wait3A_71 = tpu.memref_slice %arg9[%add3A_55, %dma_wait3A_70] : memref<10240x128xf32, #tpu.memory_space<vmem_shared>> -> memref<128x128xf32, #tpu.memory_space<vmem_shared>>
      tpu.wait_dma2 semaphore(%run_scoped3A : memref<!tpu.dma_semaphore, #tpu.memory_space<semaphore_mem>>) src(%dma_wait3A_71 : memref<128x128xf32, #tpu.memory_space<vmem_shared>>) dst(%arg8 : memref<128x128xf32, #tpu.memory_space<vmem>>)
      tpu.yield
    }) : () -> ()
    %add3A_56 = arith.constant 256 : i32
    %add3A_57 = arith.addi %mul3A_45, %add3A_56 : i32
    "tpu.region"() ({
      %run_scoped3A = tpu.sem_alloc : memref<!tpu.dma_semaphore, #tpu.memory_space<semaphore_mem>>
      %dma_start3A = arith.constant 0 : i32
      %dma_start3A_66 = tpu.memref_slice %arg5[%arg0, %add3A_57, %dma_start3A] : memref<2x10240x128xf32, #tpu.memory_space<hbm>> -> memref<1x128x128xf32, #tpu.memory_space<hbm>>
      %dma_start3A_67 = tpu.memref_squeeze %dma_start3A_66 : memref<1x128x128xf32, #tpu.memory_space<hbm>> -> memref<128x128xf32, #tpu.memory_space<hbm>>
      %dma_start3A_68 = arith.constant 0 : i32
      %dma_start3A_69 = tpu.memref_slice %arg5[%arg0, %add3A_57, %dma_start3A_68] : memref<2x10240x128xf32, #tpu.memory_space<hbm>> -> memref<1x128x128xf32, #tpu.memory_space<hbm>>
      %dma_start3A_70 = tpu.memref_squeeze %dma_start3A_69 : memref<1x128x128xf32, #tpu.memory_space<hbm>> -> memref<128x128xf32, #tpu.memory_space<hbm>>
      tpu.enqueue_dma source(%arg8 : memref<128x128xf32, #tpu.memory_space<vmem>>) target(%dma_start3A_70 : memref<128x128xf32, #tpu.memory_space<hbm>>) target_semaphore(%run_scoped3A : memref<!tpu.dma_semaphore, #tpu.memory_space<semaphore_mem>>)
      %dma_wait3A = arith.constant 0 : i32
      %dma_wait3A_71 = tpu.memref_slice %arg5[%arg0, %add3A_57, %dma_wait3A] : memref<2x10240x128xf32, #tpu.memory_space<hbm>> -> memref<1x128x128xf32, #tpu.memory_space<hbm>>
      %dma_wait3A_72 = tpu.memref_squeeze %dma_wait3A_71 : memref<1x128x128xf32, #tpu.memory_space<hbm>> -> memref<128x128xf32, #tpu.memory_space<hbm>>
      %dma_wait3A_73 = arith.constant 0 : i32
      %dma_wait3A_74 = tpu.memref_slice %arg5[%arg0, %add3A_57, %dma_wait3A_73] : memref<2x10240x128xf32, #tpu.memory_space<hbm>> -> memref<1x128x128xf32, #tpu.memory_space<hbm>>
      %dma_wait3A_75 = tpu.memref_squeeze %dma_wait3A_74 : memref<1x128x128xf32, #tpu.memory_space<hbm>> -> memref<128x128xf32, #tpu.memory_space<hbm>>
      tpu.wait_dma2 semaphore(%run_scoped3A : memref<!tpu.dma_semaphore, #tpu.memory_space<semaphore_mem>>) src(%arg8 : memref<128x128xf32, #tpu.memory_space<vmem>>) dst(%dma_wait3A_75 : memref<128x128xf32, #tpu.memory_space<hbm>>)
      tpu.yield
    }) : () -> ()
    %add3A_58 = arith.constant 384 : i32
    %add3A_59 = arith.addi %mul3A_45, %add3A_58 : i32
    "tpu.region"() ({
      %run_scoped3A = tpu.sem_alloc : memref<!tpu.dma_semaphore, #tpu.memory_space<semaphore_mem>>
      %dma_start3A = arith.constant 0 : i32
      %dma_start3A_66 = tpu.memref_slice %arg9[%add3A_59, %dma_start3A] : memref<10240x128xf32, #tpu.memory_space<vmem_shared>> -> memref<128x128xf32, #tpu.memory_space<vmem_shared>>
      %dma_start3A_67 = arith.constant 0 : i32
      %dma_start3A_68 = tpu.memref_slice %arg9[%add3A_59, %dma_start3A_67] : memref<10240x128xf32, #tpu.memory_space<vmem_shared>> -> memref<128x128xf32, #tpu.memory_space<vmem_shared>>
      tpu.enqueue_dma source(%dma_start3A_68 : memref<128x128xf32, #tpu.memory_space<vmem_shared>>) target(%arg8 : memref<128x128xf32, #tpu.memory_space<vmem>>) target_semaphore(%run_scoped3A : memref<!tpu.dma_semaphore, #tpu.memory_space<semaphore_mem>>)
      %dma_wait3A = arith.constant 0 : i32
      %dma_wait3A_69 = tpu.memref_slice %arg9[%add3A_59, %dma_wait3A] : memref<10240x128xf32, #tpu.memory_space<vmem_shared>> -> memref<128x128xf32, #tpu.memory_space<vmem_shared>>
      %dma_wait3A_70 = arith.constant 0 : i32
      %dma_wait3A_71 = tpu.memref_slice %arg9[%add3A_59, %dma_wait3A_70] : memref<10240x128xf32, #tpu.memory_space<vmem_shared>> -> memref<128x128xf32, #tpu.memory_space<vmem_shared>>
      tpu.wait_dma2 semaphore(%run_scoped3A : memref<!tpu.dma_semaphore, #tpu.memory_space<semaphore_mem>>) src(%dma_wait3A_71 : memref<128x128xf32, #tpu.memory_space<vmem_shared>>) dst(%arg8 : memref<128x128xf32, #tpu.memory_space<vmem>>)
      tpu.yield
    }) : () -> ()
    %add3A_60 = arith.constant 384 : i32
    %add3A_61 = arith.addi %mul3A_45, %add3A_60 : i32
    "tpu.region"() ({
      %run_scoped3A = tpu.sem_alloc : memref<!tpu.dma_semaphore, #tpu.memory_space<semaphore_mem>>
      %dma_start3A = arith.constant 0 : i32
      %dma_start3A_66 = tpu.memref_slice %arg5[%arg0, %add3A_61, %dma_start3A] : memref<2x10240x128xf32, #tpu.memory_space<hbm>> -> memref<1x128x128xf32, #tpu.memory_space<hbm>>
      %dma_start3A_67 = tpu.memref_squeeze %dma_start3A_66 : memref<1x128x128xf32, #tpu.memory_space<hbm>> -> memref<128x128xf32, #tpu.memory_space<hbm>>
      %dma_start3A_68 = arith.constant 0 : i32
      %dma_start3A_69 = tpu.memref_slice %arg5[%arg0, %add3A_61, %dma_start3A_68] : memref<2x10240x128xf32, #tpu.memory_space<hbm>> -> memref<1x128x128xf32, #tpu.memory_space<hbm>>
      %dma_start3A_70 = tpu.memref_squeeze %dma_start3A_69 : memref<1x128x128xf32, #tpu.memory_space<hbm>> -> memref<128x128xf32, #tpu.memory_space<hbm>>
      tpu.enqueue_dma source(%arg8 : memref<128x128xf32, #tpu.memory_space<vmem>>) target(%dma_start3A_70 : memref<128x128xf32, #tpu.memory_space<hbm>>) target_semaphore(%run_scoped3A : memref<!tpu.dma_semaphore, #tpu.memory_space<semaphore_mem>>)
      %dma_wait3A = arith.constant 0 : i32
      %dma_wait3A_71 = tpu.memref_slice %arg5[%arg0, %add3A_61, %dma_wait3A] : memref<2x10240x128xf32, #tpu.memory_space<hbm>> -> memref<1x128x128xf32, #tpu.memory_space<hbm>>
      %dma_wait3A_72 = tpu.memref_squeeze %dma_wait3A_71 : memref<1x128x128xf32, #tpu.memory_space<hbm>> -> memref<128x128xf32, #tpu.memory_space<hbm>>
      %dma_wait3A_73 = arith.constant 0 : i32
      %dma_wait3A_74 = tpu.memref_slice %arg5[%arg0, %add3A_61, %dma_wait3A_73] : memref<2x10240x128xf32, #tpu.memory_space<hbm>> -> memref<1x128x128xf32, #tpu.memory_space<hbm>>
      %dma_wait3A_75 = tpu.memref_squeeze %dma_wait3A_74 : memref<1x128x128xf32, #tpu.memory_space<hbm>> -> memref<128x128xf32, #tpu.memory_space<hbm>>
      tpu.wait_dma2 semaphore(%run_scoped3A : memref<!tpu.dma_semaphore, #tpu.memory_space<semaphore_mem>>) src(%arg8 : memref<128x128xf32, #tpu.memory_space<vmem>>) dst(%dma_wait3A_75 : memref<128x128xf32, #tpu.memory_space<hbm>>)
      tpu.yield
    }) : () -> ()
    %add3A_62 = arith.constant 512 : i32
    %add3A_63 = arith.addi %mul3A_45, %add3A_62 : i32
    "tpu.region"() ({
      %run_scoped3A = tpu.sem_alloc : memref<!tpu.dma_semaphore, #tpu.memory_space<semaphore_mem>>
      %dma_start3A = arith.constant 0 : i32
      %dma_start3A_66 = tpu.memref_slice %arg9[%add3A_63, %dma_start3A] : memref<10240x128xf32, #tpu.memory_space<vmem_shared>> -> memref<128x128xf32, #tpu.memory_space<vmem_shared>>
      %dma_start3A_67 = arith.constant 0 : i32
      %dma_start3A_68 = tpu.memref_slice %arg9[%add3A_63, %dma_start3A_67] : memref<10240x128xf32, #tpu.memory_space<vmem_shared>> -> memref<128x128xf32, #tpu.memory_space<vmem_shared>>
      tpu.enqueue_dma source(%dma_start3A_68 : memref<128x128xf32, #tpu.memory_space<vmem_shared>>) target(%arg8 : memref<128x128xf32, #tpu.memory_space<vmem>>) target_semaphore(%run_scoped3A : memref<!tpu.dma_semaphore, #tpu.memory_space<semaphore_mem>>)
      %dma_wait3A = arith.constant 0 : i32
      %dma_wait3A_69 = tpu.memref_slice %arg9[%add3A_63, %dma_wait3A] : memref<10240x128xf32, #tpu.memory_space<vmem_shared>> -> memref<128x128xf32, #tpu.memory_space<vmem_shared>>
      %dma_wait3A_70 = arith.constant 0 : i32
      %dma_wait3A_71 = tpu.memref_slice %arg9[%add3A_63, %dma_wait3A_70] : memref<10240x128xf32, #tpu.memory_space<vmem_shared>> -> memref<128x128xf32, #tpu.memory_space<vmem_shared>>
      tpu.wait_dma2 semaphore(%run_scoped3A : memref<!tpu.dma_semaphore, #tpu.memory_space<semaphore_mem>>) src(%dma_wait3A_71 : memref<128x128xf32, #tpu.memory_space<vmem_shared>>) dst(%arg8 : memref<128x128xf32, #tpu.memory_space<vmem>>)
      tpu.yield
    }) : () -> ()
    %add3A_64 = arith.constant 512 : i32
    %add3A_65 = arith.addi %mul3A_45, %add3A_64 : i32
    "tpu.region"() ({
      %run_scoped3A = tpu.sem_alloc : memref<!tpu.dma_semaphore, #tpu.memory_space<semaphore_mem>>
      %dma_start3A = arith.constant 0 : i32
      %dma_start3A_66 = tpu.memref_slice %arg5[%arg0, %add3A_65, %dma_start3A] : memref<2x10240x128xf32, #tpu.memory_space<hbm>> -> memref<1x128x128xf32, #tpu.memory_space<hbm>>
      %dma_start3A_67 = tpu.memref_squeeze %dma_start3A_66 : memref<1x128x128xf32, #tpu.memory_space<hbm>> -> memref<128x128xf32, #tpu.memory_space<hbm>>
      %dma_start3A_68 = arith.constant 0 : i32
      %dma_start3A_69 = tpu.memref_slice %arg5[%arg0, %add3A_65, %dma_start3A_68] : memref<2x10240x128xf32, #tpu.memory_space<hbm>> -> memref<1x128x128xf32, #tpu.memory_space<hbm>>
      %dma_start3A_70 = tpu.memref_squeeze %dma_start3A_69 : memref<1x128x128xf32, #tpu.memory_space<hbm>> -> memref<128x128xf32, #tpu.memory_space<hbm>>
      tpu.enqueue_dma source(%arg8 : memref<128x128xf32, #tpu.memory_space<vmem>>) target(%dma_start3A_70 : memref<128x128xf32, #tpu.memory_space<hbm>>) target_semaphore(%run_scoped3A : memref<!tpu.dma_semaphore, #tpu.memory_space<semaphore_mem>>)
      %dma_wait3A = arith.constant 0 : i32
      %dma_wait3A_71 = tpu.memref_slice %arg5[%arg0, %add3A_65, %dma_wait3A] : memref<2x10240x128xf32, #tpu.memory_space<hbm>> -> memref<1x128x128xf32, #tpu.memory_space<hbm>>
      %dma_wait3A_72 = tpu.memref_squeeze %dma_wait3A_71 : memref<1x128x128xf32, #tpu.memory_space<hbm>> -> memref<128x128xf32, #tpu.memory_space<hbm>>
      %dma_wait3A_73 = arith.constant 0 : i32
      %dma_wait3A_74 = tpu.memref_slice %arg5[%arg0, %add3A_65, %dma_wait3A_73] : memref<2x10240x128xf32, #tpu.memory_space<hbm>> -> memref<1x128x128xf32, #tpu.memory_space<hbm>>
      %dma_wait3A_75 = tpu.memref_squeeze %dma_wait3A_74 : memref<1x128x128xf32, #tpu.memory_space<hbm>> -> memref<128x128xf32, #tpu.memory_space<hbm>>
      tpu.wait_dma2 semaphore(%run_scoped3A : memref<!tpu.dma_semaphore, #tpu.memory_space<semaphore_mem>>) src(%arg8 : memref<128x128xf32, #tpu.memory_space<vmem>>) dst(%dma_wait3A_75 : memref<128x128xf32, #tpu.memory_space<hbm>>)
      tpu.yield
    }) : () -> ()
    return
  }
}

module attributes {stable_mosaic.version = 14 : i64} {
  func.func @_mlp_body(%arg0: i32, %arg1: memref<1000x128xf32, #tpu.memory_space<vmem>>, %arg2: memref<2x1000x128xf32, #tpu.memory_space<vmem>>, %arg3: memref<128x128xf32, #tpu.memory_space<vmem>>, %arg4: memref<1x128xf32, #tpu.memory_space<vmem>>, %arg5: memref<128x128xf32, #tpu.memory_space<vmem>>, %arg6: memref<1x128xf32, #tpu.memory_space<vmem>>, %arg7: memref<128x128xf32, #tpu.memory_space<vmem>>, %arg8: memref<1000x128xf32, #tpu.memory_space<vmem>>) attributes {dimension_semantics = [#tpu.dimension_semantics<arbitrary>], iteration_bounds = array<i64: 10>, scalar_prefetch = 0 : i64, scratch_operands = 0 : i64, tpu.core_type = #tpu.core_type<tc>, window_params = [{transform_indices = @transform_0, window_bounds = array<i64: 1000, 128>}, {transform_indices = @transform_1, window_bounds = array<i64: 2, 1000, 128>}, {pipeline_mode = #tpu.pipeline_mode<synchronous>, transform_indices = @transform_2, window_bounds = array<i64: 128, 128>}, {pipeline_mode = #tpu.pipeline_mode<synchronous>, transform_indices = @transform_3, window_bounds = array<i64: 1, 128>}, {pipeline_mode = #tpu.pipeline_mode<synchronous>, transform_indices = @transform_4, window_bounds = array<i64: 128, 128>}, {pipeline_mode = #tpu.pipeline_mode<synchronous>, transform_indices = @transform_5, window_bounds = array<i64: 1, 128>}, {pipeline_mode = #tpu.pipeline_mode<synchronous>, transform_indices = @transform_6, window_bounds = array<i64: 128, 128>}, {transform_indices = @transform_7, window_bounds = array<i64: 1000, 128>}]} {
    %get3A = arith.constant 0 : index
    %get3A_0 = arith.constant 0 : index
    %get3A_1 = vector.load %arg1[%get3A, %get3A_0] : memref<1000x128xf32, #tpu.memory_space<vmem>>, vector<1000x128xf32>
    %get3A_2 = arith.constant 0 : index
    %get3A_3 = arith.constant 0 : index
    %get3A_4 = arith.constant 0 : index
    %get3A_5 = vector.load %arg2[%get3A_2, %get3A_3, %get3A_4] : memref<2x1000x128xf32, #tpu.memory_space<vmem>>, vector<1x1000x128xf32>
    %get3A_6 = vector.shape_cast %get3A_5 : vector<1x1000x128xf32> to vector<1000x128xf32>
    %add3A = arith.addf %get3A_1, %get3A_6 : vector<1000x128xf32>
    %get3A_7 = arith.constant 1 : index
    %get3A_8 = arith.constant 0 : index
    %get3A_9 = arith.constant 0 : index
    %get3A_10 = vector.load %arg2[%get3A_7, %get3A_8, %get3A_9] : memref<2x1000x128xf32, #tpu.memory_space<vmem>>, vector<1x1000x128xf32>
    %get3A_11 = vector.shape_cast %get3A_10 : vector<1x1000x128xf32> to vector<1000x128xf32>
    %add3A_12 = arith.addf %add3A, %get3A_11 : vector<1000x128xf32>
    %get3A_13 = arith.constant 0 : index
    %get3A_14 = arith.constant 0 : index
    %get3A_15 = vector.load %arg3[%get3A_13, %get3A_14] : memref<128x128xf32, #tpu.memory_space<vmem>>, vector<128x128xf32>
    %dot_general3A = arith.constant dense<0.000000e+00> : vector<1000x128xf32>
    %dot_general3A_16 = tpu.matmul %add3A_12, %get3A_15, %dot_general3A {dimension_numbers = #tpu.dot_dimension_numbers<[1], [0], [0], [1], [0, 0, 1, 1], [], []>, transpose_lhs_hint = false} : vector<1000x128xf32>, vector<128x128xf32>, vector<1000x128xf32> -> vector<1000x128xf32>
    %get3A_17 = arith.constant 0 : index
    %get3A_18 = arith.constant 0 : index
    %get3A_19 = vector.load %arg4[%get3A_17, %get3A_18] : memref<1x128xf32, #tpu.memory_space<vmem>>, vector<1x128xf32>
    %add3A_20 = vector.broadcast %get3A_19 : vector<1x128xf32> to vector<1000x128xf32>
    %add3A_21 = arith.addf %dot_general3A_16, %add3A_20 : vector<1000x128xf32>
    %max3A = arith.constant 0.000000e+00 : f32
    %max3A_22 = vector.broadcast %max3A : f32 to vector<1000x128xf32>
    %max3A_23 = arith.maximumf %add3A_21, %max3A_22 : vector<1000x128xf32>
    %get3A_24 = arith.constant 0 : index
    %get3A_25 = arith.constant 0 : index
    %get3A_26 = vector.load %arg5[%get3A_24, %get3A_25] : memref<128x128xf32, #tpu.memory_space<vmem>>, vector<128x128xf32>
    %dot_general3A_27 = arith.constant dense<0.000000e+00> : vector<1000x128xf32>
    %dot_general3A_28 = tpu.matmul %max3A_23, %get3A_26, %dot_general3A_27 {dimension_numbers = #tpu.dot_dimension_numbers<[1], [0], [0], [1], [0, 0, 1, 1], [], []>, transpose_lhs_hint = false} : vector<1000x128xf32>, vector<128x128xf32>, vector<1000x128xf32> -> vector<1000x128xf32>
    %get3A_29 = arith.constant 0 : index
    %get3A_30 = arith.constant 0 : index
    %get3A_31 = vector.load %arg6[%get3A_29, %get3A_30] : memref<1x128xf32, #tpu.memory_space<vmem>>, vector<1x128xf32>
    %add3A_32 = vector.broadcast %get3A_31 : vector<1x128xf32> to vector<1000x128xf32>
    %add3A_33 = arith.addf %dot_general3A_28, %add3A_32 : vector<1000x128xf32>
    %get3A_34 = arith.constant 0 : index
    %get3A_35 = arith.constant 0 : index
    %get3A_36 = vector.load %arg7[%get3A_34, %get3A_35] : memref<128x128xf32, #tpu.memory_space<vmem>>, vector<128x128xf32>
    %dot_general3A_37 = arith.constant dense<0.000000e+00> : vector<1000x128xf32>
    %dot_general3A_38 = tpu.matmul %add3A_33, %get3A_36, %dot_general3A_37 {dimension_numbers = #tpu.dot_dimension_numbers<[1], [0], [0], [1], [0, 0, 1, 1], [], []>, transpose_lhs_hint = false} : vector<1000x128xf32>, vector<128x128xf32>, vector<1000x128xf32> -> vector<1000x128xf32>
    %swap3A = arith.constant 0 : index
    %swap3A_39 = arith.constant 0 : index
    %swap3A_40 = vector.load %arg8[%swap3A, %swap3A_39] : memref<1000x128xf32, #tpu.memory_space<vmem>>, vector<1000x128xf32>
    tpu.vector_store %arg8[%swap3A, %swap3A_39], %dot_general3A_38 {strides = array<i32>} : memref<1000x128xf32, #tpu.memory_space<vmem>>, vector<1000x128xf32>,
    return
  }
  func.func @transform_0(%arg0: i32) -> (i32, i32) {
    %c0_i32 = arith.constant 0 : i32
    %c0_i32_0 = arith.constant 0 : i32
    return %arg0, %c0_i32 : i32, i32
  }
  func.func @transform_1(%arg0: i32) -> (i32, i32, i32) {
    %c0_i32 = arith.constant 0 : i32
    %c0_i32_0 = arith.constant 0 : i32
    %c0_i32_1 = arith.constant 0 : i32
    return %c0_i32, %arg0, %c0_i32_0 : i32, i32, i32
  }
  func.func @transform_2(%arg0: i32) -> (i32, i32) {
    %c0_i32 = arith.constant 0 : i32
    %c0_i32_0 = arith.constant 0 : i32
    %c0_i32_1 = arith.constant 0 : i32
    return %c0_i32, %c0_i32_0 : i32, i32
  }
  func.func @transform_3(%arg0: i32) -> (i32, i32) {
    %c0_i32 = arith.constant 0 : i32
    %c0_i32_0 = arith.constant 0 : i32
    %c0_i32_1 = arith.constant 0 : i32
    return %c0_i32, %c0_i32_0 : i32, i32
  }
  func.func @transform_4(%arg0: i32) -> (i32, i32) {
    %c0_i32 = arith.constant 0 : i32
    %c0_i32_0 = arith.constant 0 : i32
    %c0_i32_1 = arith.constant 0 : i32
    return %c0_i32, %c0_i32_0 : i32, i32
  }
  func.func @transform_5(%arg0: i32) -> (i32, i32) {
    %c0_i32 = arith.constant 0 : i32
    %c0_i32_0 = arith.constant 0 : i32
    %c0_i32_1 = arith.constant 0 : i32
    return %c0_i32, %c0_i32_0 : i32, i32
  }
  func.func @transform_6(%arg0: i32) -> (i32, i32) {
    %c0_i32 = arith.constant 0 : i32
    %c0_i32_0 = arith.constant 0 : i32
    %c0_i32_1 = arith.constant 0 : i32
    return %c0_i32, %c0_i32_0 : i32, i32
  }
  func.func @transform_7(%arg0: i32) -> (i32, i32) {
    %c0_i32 = arith.constant 0 : i32
    %c0_i32_0 = arith.constant 0 : i32
    return %arg0, %c0_i32 : i32, i32
  }
}

</mosaic_0001>

<sc_bundles>
// kernel: kernel.5.cloned.1.call-start
scs
__scs_entry_jumppad:
0x0: {  	(pc) =	sbr.rel $0x88, $3  }
0x1: {  	(tag) =	ssettag $0x0;
	lr =	simm.s32 $0x1  }
0x2: {  	[smem:$0x3F98] =	sst lr;
	_ =	strace $0xD0000000  }
0x3: {  	_ = 	snop  }
0x4: {  	_ = 	snop  }
0x5: {  	_ = 	snop  }
0x6: {  	_ = 	snop  }
0x7: {  	_ = 	snop  }
__scs_overlays_trampoline_lowered:
0x8: {  	[smem:$0x3FA7] =	sst s0  }
0x9: {  	[smem:$0x3FA8] =	sst s1  }
0xa: {  	[smem:$0x3FA9] =	sst s2  }
0xb: {  	[smem:$0x3FAA] =	sst s3  }
0xc: {  	[smem:$0x3FAB] =	sst s4  }
0xd: {  	[smem:$0x3FAC] =	sst s5  }
0xe: {  	[smem:$0x3FAD] =	sst s6  }
0xf: {  	[smem:$0x3FAE] =	sst s7  }
0x10: {  	[smem:$0x3FAF] =	sst s8  }
0x11: {  	[smem:$0x3FB0] =	sst s9;
	s0 =	simm.s32 @!p0 $0x0  }
0x12: {  	s1 =	sld [smem:$0x3F96];
	s0 =	simm.s32 @p0 $0x1  }
0x13: {  	[smem:$0x3FB1] =	sst s0;
	s0 =	simm.s32 @!p1 $0x0  }
0x14: {  	s2 =	sld [smem:$0x3F95];
	s0 =	simm.s32 @p1 $0x1  }
0x15: {  	[smem:$0x3FB2] =	sst s0;
	s0 =	simm.s32 @!p2 $0x0  }
0x16: {  	s3 =	sld [smem:$0x3FDB];
	s0 =	simm.s32 @p2 $0x1  }
0x17: {  	s4 =	simm.s32 $0x1BF5;
	[smem:$0x3FB4] =	sst s0  }
0x18: {  	s0 =	sld [smem:$0x3F97];
	_ =	swait.ge [sflag:s4], $0x0  }
0x19: {  	s7 =	sld [smem:$0x3F98]  }
0x1a: {  	s8 =	sadd.s32 $0xFFFFE003, lr  }
0x1b: {  	s9 =	sadd.s32 $0xFFFFFEF7, lr;
	s5 =	simm.s32 $0xFFFFFFFF;
	p2 =	slt.u32 s8, $0xFFFFF086  }
0x1c: {  	p1 =	slt.u32 s9, $0xF7A;
	s5 =	simm.s32 @!p2 $0x0  }
0x1d: {  	s5 =	simm.s32 @p1 $0x1;
	p0 =	seq.s32 s7, s2  }
0x1e: {  	s7 =	smul.u32 @!p0 $0xF7A, s2;
	p2 =	seq.s32 @!p0 s5, $0x0  }
0x1f: {  	s9 =	smul.u32 $0xF7A, s1;
	s8 =	simm.s32 @!p0 $0x1BF5;
	p2 =	por !p2, p0  }
0x20: {  	[sflag:s8] =	ssyncset.s32 @!p0 $0xFFFFF086;
	s6 =	sadd.s32 @!p0 s3, s7;
	s7 =	simm.s32 @!p0 $0x108  }
0x21: {  	s3 =	sadd.s32 s3, s9;
	s6 =	sadd.s32 @!p0 $0x88, s6;
	s7 =	simm.s32 @p2 $0x1082  }
0x22: {  	[simem:s7], [sflag:s8] =	dma.local @!p0 [hbm:s6], $0xF7A  }
0x23: {  	s9 =	sor.u32 $0xD0000000, s2;
	s6 =	simm.s32 $0x108;
	_ =	swait.ge @!p0 [sflag:s8], $0x0  }
0x24: {  	s3 =	sadd.s32 $0x88, s3;
	s6 =	simm.s32 @!p1 $0x1082;
	[sflag:s4] =	ssyncset.s32 $0xFFFFF086  }
0x25: {  	[simem:s6], [sflag:s4] =	dma.local [hbm:s3], $0xF7A  }
0x26: {  	[smem:$0x3F98] =	sst s1;
	(tag) =	ssettag s2;
	_ =	strace s9  }
0x27: {  	s1 =	sld [smem:$0x3FA8]  }
0x28: {  	s2 =	sld [smem:$0x3FA9]  }
0x29: {  	s4 =	sld [smem:$0x3FAB]  }
0x2a: {  	p0 =	seq.s32 s5, $0x0;
	s5 =	sld [smem:$0x3FAC]  }
0x2b: {  	s6 =	sld [smem:$0x3FAD]  }
0x2c: {  	s7 =	sld [smem:$0x3FAE]  }
0x2d: {  	s3 =	simm.s32 $0x108;
	s8 =	sld [smem:$0x3FAF]  }
0x2e: {  	s3 =	simm.s32 @!p0 $0x1082;
	s9 =	sld [smem:$0x3FB0]  }
0x2f: {  	lr =	sadd.s32 s0, s3;
	s0 =	sld [smem:$0x3FA7]  }
0x30: {  	s3 =	sld [smem:$0x3FAA]  }
0x31: {  	[smem:$0x3FB3] =	sst s10  }
0x32: {  	s10 =	sld [smem:$0x3FB1];
	_ =	sdelay $0x3  }
0x33: {  	p0 =	seq.s32 s10, $0x1;
	s10 =	sld [smem:$0x3FB3];
	_ =	sdelay $0x3  }
0x34: {  	[smem:$0x3FB3] =	sst s10  }
0x35: {  	s10 =	sld [smem:$0x3FB2];
	_ =	sdelay $0x3  }
0x36: {  	p1 =	seq.s32 s10, $0x1;
	s10 =	sld [smem:$0x3FB3];
	_ =	sdelay $0x3  }
0x37: {  	[smem:$0x3FB3] =	sst s10  }
0x38: {  	s10 =	sld [smem:$0x3FB4]  }
0x39: {  	_ = 	snop;
	(pc) =	sbr.ind lr, $3  }
0x3a: {  	_ = 	snop  }
0x3b: {  	_ = 	snop  }
0x3c: {  	p2 =	seq.s32 s10, $0x1;
	s10 =	sld [smem:$0x3FB3]  }
0x3d: {  	_ =	shalt  }
0x3e: {  	_ =	shalt  }
0x3f: {  	_ =	shalt  }
0x40: {  	_ =	shalt  }
0x41: {  	_ =	shalt  }
0x42: {  	_ =	shalt  }
0x43: {  	_ =	shalt  }
0x44: {  	_ =	shalt  }
0x45: {  	_ =	shalt  }
0x46: {  	_ =	shalt  }
0x47: {  	_ =	shalt  }
0x48: {  	_ =	shalt  }
0x49: {  	_ =	shalt  }
0x4a: {  	_ =	shalt  }
0x4b: {  	_ =	shalt  }
0x4c: {  	_ =	shalt  }
0x4d: {  	_ =	shalt  }
0x4e: {  	_ =	shalt  }
0x4f: {  	_ =	shalt  }
0x50: {  	_ =	shalt  }
0x51: {  	_ =	shalt  }
0x52: {  	_ =	shalt  }
0x53: {  	_ =	shalt  }
0x54: {  	_ =	shalt  }
0x55: {  	_ =	shalt  }
0x56: {  	_ =	shalt  }
0x57: {  	_ =	shalt  }
0x58: {  	_ =	shalt  }
0x59: {  	_ =	shalt  }
0x5a: {  	_ =	shalt  }
0x5b: {  	_ =	shalt  }
0x5c: {  	_ =	shalt  }
0x5d: {  	_ =	shalt  }
0x5e: {  	_ =	shalt  }
0x5f: {  	_ =	shalt  }
0x60: {  	_ =	shalt  }
0x61: {  	_ =	shalt  }
0x62: {  	_ =	shalt  }
0x63: {  	_ =	shalt  }
0x64: {  	_ =	shalt  }
0x65: {  	_ =	shalt  }
0x66: {  	_ =	shalt  }
0x67: {  	_ =	shalt  }
0x68: {  	_ =	shalt  }
0x69: {  	_ =	shalt  }
0x6a: {  	_ =	shalt  }
0x6b: {  	_ =	shalt  }
0x6c: {  	_ =	shalt  }
0x6d: {  	_ =	shalt  }
0x6e: {  	_ =	shalt  }
0x6f: {  	_ =	shalt  }
0x70: {  	_ =	shalt  }
0x71: {  	_ =	shalt  }
0x72: {  	_ =	shalt  }
0x73: {  	_ =	shalt  }
0x74: {  	_ =	shalt  }
0x75: {  	_ =	shalt  }
0x76: {  	_ =	shalt  }
0x77: {  	_ =	shalt  }
0x78: {  	_ =	shalt  }
0x79: {  	_ =	shalt  }
0x7a: {  	_ =	shalt  }
0x7b: {  	_ =	shalt  }
0x7c: {  	_ =	shalt  }
0x7d: {  	_ =	shalt  }
0x7e: {  	_ =	shalt  }
0x7f: {  	_ =	shalt  }
0x80: {  	_ =	shalt  }
0x81: {  	_ =	shalt  }
0x82: {  	_ =	shalt  }
0x83: {  	_ =	shalt  }
0x84: {  	_ =	shalt  }
0x85: {  	_ =	shalt  }
0x86: {  	_ =	shalt  }
0x87: {  	_ =	shalt  }
.Lfunc_end0:
.L_simem_size_0:
called_computation_lowered:
.L_overlay_start_0:
0x88: {  	s2 =	sld [smem:$0x3FD9]  }
0x89: {  	s3 =	sld [smem:$0x3FFE];
	_ =	sdelay $0x1  }
0x8a: {  	s1 =	srdreg.scid  }
0x8b: {  	s0 =	sand.u32 $0x1, s1  }
0x8c: {  	s17 =	sshll.u32 s0, $0xA;
	s2 =	sadd.s32 s3, s2  }
0x8d: {  	s2 =	sadd.s32 s2, s17  }
0x8e: {  	[smem:$0x3FBF] =	sst s2  }
0x8f: {  	_ = 	snop  }
0x90: {  	s2 =	sld [smem:$0x3FC7]  }
0x91: {  	s18 =	sld [smem:$0x3FC6];
	(tm) =	ssettm $0x1  }
0x92: {  	s4 =	sld [smem:$0x3FFB];
	_ =	sdelay $0x3  }
0x93: {  	_ =	strace s4  }
0x94: {  	s4 =	sld [smem:$0x3FFC];
	_ =	sdelay $0x3  }
0x95: {  	_ =	strace s4  }
0x96: {  	s4 =	sld [smem:$0x3FFD];
	_ =	sdelay $0x3  }
0x97: {  	_ =	strace s4  }
0x98: {  	_ =	strace $0x8FFFFFFF  }
0x99: {  	s19 =	sld [smem:$0x3FDB];
	_ =	sdelay $0x1  }
0x9a: {  	s5 =	simm.s32 $_scs_section_size  }
0x9b: {  	s6 =	simm.s32 $_size__tile_overlayer_lowered;
	s7 =	simm.s32 $_tile_overlayer_lowered  }
0x9c: {  	s22 =	simm.s32 $0x1BFF;
	s21 =	sshll.u32 s7, $0x1;
	s4 =	sadd.s32 s5, s19  }
0x9d: {  	s8 =	simm.s32 $0x0;
	s20 =	sshll.u32 s6, $0x1;
	s6 =	sadd.s32 s21, s4  }
0x9e: {  	[timem:s8], [sflag:s22] =	dma.local [hbm:s6], s20  }
0x9f: {  	_ =	swait.ge [sflag:s22], s20  }
0xa0: {  	s5 =	ssub.s32 $0x0, s20;
	[sflag:s22] =	ssyncset.done $0x0  }
0xa1: {  	[sflag:s22] =	ssyncadd.s32 s5;
	_ =	sdelay $0x1  }
0xa2: {  	s23 =	simm.s32 $0x1B8B  }
0xa3: {  	_ =	swait.ge [sflag:s23], $0x1  }
0xa4: {  	[sflag:s23] =	ssyncset.done $0x0  }
0xa5: {  	s25 =	simm.s32 $0x1B8E;
	s24 =	sld [smem:$0x3FFE];
	[sflag:s23] =	ssyncadd.s32 $0xFFFFFFFF  }
0xa6: {  	s26 =	simm.s32 $execute0_lowered;
	[smem:$0x3FD2] =	sst s25  }
0xa7: {  	s6 =	sshll.u32 s26, $0x1;
	_ =	strace $0x80000046;
	[dreg:$0x1] =	wrdreg $0xFFFFFFFF  }
0xa8: {  	s28 =	simm.s32 $_size_execute0_lowered;
	s4 =	sadd.s32 s4, s6;
	[dreg:$0x0] =	wrdreg $0x0  }
0xa9: {  	s6 =	sshll.u32 s28, $0x1;
	[dreg:$0x2] =	wrdreg s4  }
0xaa: {  	[dreg:$0x3] =	wrdreg s6  }
0xab: {  	[dreg:$0x4] =	wrdreg $0xC0  }
0xac: {  	_ =	task [dreg:s8], $0x5FFFF  }
0xad: {  	[dreg:$0x1] =	wrdreg $0xFFFFFFFF  }
0xae: {  	[dreg:$0x0] =	wrdreg $0x60  }
0xaf: {  	[dreg:$0x2] =	wrdreg s2  }
0xb0: {  	[dreg:$0x3] =	wrdreg s18  }
0xb1: {  	[dreg:$0x4] =	wrdreg s24  }
0xb2: {  	[dreg:$0x5] =	wrdreg $0x9  }
0xb3: {  	_ =	task.clear_ibuf [dreg:s8], $0x6FFFF;
	_ =	strace $0x90000046  }
0xb4: {  	s29 =	simm.s32 $0x9;
	_ =	strace $0x80000048  }
0xb5: {  	_ =	swait.ge [sflag:s29], $0x1  }
0xb6: {  	[sflag:s29] =	ssyncadd.s32 $0xFFFFFFFF  }
0xb7: {  	_ =	strace $0x90000048  }
0xb8: {  	_ =	sfence  }
0xb9: {  	s30 =	sld [smem:$0x0];
	_ =	sdelay $0x2  }
0xba: {  	s31 =	sshll.u32 s1, $0xD;
	s1 =	sshrl.u32 s1, $0x2  }
0xbb: {  	s3 =	sand.u32 $0x4000, s31;
	s1 =	sadd.s32 s1, s30  }
0xbc: {  	s0 =	sor.u32 s3, s0;
	s1 =	sshll.u32 s1, $0x11  }
0xbd: {  	s0 =	sor.u32 s1, s0  }
0xbe: {  	s0 =	sadd.s32 $0x8F2B, s0  }
0xbf: {  	[sflag:s0] =	ssyncadd.remote.s32 $0x1  }
0xc0: {  	_ =	sfence.sel $0xFFFF  }
0xc1: {  	[dreg:$0x0] =	wrdreg $0xFFFFFFFF;
	(pc) =	sbr.abs _section_cstart, $3  }
0xc2: {  	[dreg:$0x1] =	wrdreg $0xFFFFFFFF  }
0xc3: {  	_ =	task.clear_ibuf [dreg:s8], $0x2FFFF;
	_ =	strace $0x9FFFFFFF  }
0xc4: {  	(tm) =	ssettm $0x7FFFFFFF  }
0xc5: {  	_ =	shalt  }
tec
execute0_lowered:
.L_overlay_start_1:
0x0: {  	(tag) =	ssettag $0x1  }
0x1: {  	s1 =	rddreg [dreg:$0x0]  }
0x2: {  	s2 =	rddreg [dreg:$0x1]  }
0x3: {  	s6 =	rddreg [dreg:$0x2]  }
0x4: {  	s0 =	rddreg [dreg:$0x3];
	s3 =	simm.s32 $0x0  }
0x5: {  	s7 =	srdreg.scid;
	s4 =	stileid.u32;
	s13 =	simm.s32 $0x50  }
0x6: {  	s14 =	simm.s32 $0x800;
	s15 =	simm.s32 $0x3000;
	s16 =	simm.s32 $0x1  }
0x7: {  	s17 =	simm.s32 $0x2;
	s18 =	simm.s32 $0x0;
	[smem:$0x7FF] =	sst s3  }
0x8: {  	s5 =	sadd.s32 $0x2000, s6;
	s7 =	sand.u32 $0x1, s7;
	s31 =	smul.u32 $0xF0, s4  }
0x9: {  	s9 =	sshll.u32 s4, $0x8;
	s12 =	smul.u32 $0x190, s4;
	_ =	strace $0x80000047  }
0xa: {  	s8 =	ssub.s32 $0x2, s7;
	s10 =	sshll.u32 s7, $0x7;
	p0 =	seq.s32 s7, $0x0  }
0xb: {  	s7 =	simm.s32 $0x5;
	s11 =	sshrl.u32 s8, $0x1;
	s9 =	sor.u32 s10, s9  }
0xc: {  	s11 =	ssub.s32 s8, s11;
	s6 =	sadd.s32 s6, s9;
	s8 =	sadd.s32 $0x1900, s31  }
0xd: {  	s7 =	simm.s32 @!p0 $0x3;
	s9 =	sadd.s32 $0x1000, s6;
	s8 =	smov.u32 @p0 s12  }
0xe: {  	s10 =	smax.u32 s11, $0x1;
	s11 =	simm.s32 $0x3;
	s12 =	simm.s32 $0x400  }
.LBB2_1:
0xf: {  	[tilespmem:s3], [sflag:$0x3] =	stream.linear.gather [hbm4b:s9+s3], $0x280, $0x38;
	[tilespmem:$0x5800] =	vst v63  }
0x10: {  	_ =	swait.ge [sflag:s11], $0x280  }
0x11: {  	[sflag:s11] =	ssyncset.done $0x0  }
0x12: {  	[sflag:s11] =	ssyncadd.s32 $0xFFFFFD80  }
0x13: {  	[tilespmem:s12], [sflag:$0x3] =	stream.linear.gather [hbm4b:s6+s3], $0x280, $0x38;
	[tilespmem:$0x5800] =	vst v63  }
0x14: {  	_ =	swait.ge [sflag:s11], $0x280  }
0x15: {  	[sflag:s11] =	ssyncset.done $0x0  }
0x16: {  	s19 =	simm.s32 $0x0;
	[sflag:s11] =	ssyncadd.s32 $0xFFFFFD80  }
.LBB2_2:
0x17: {  	s20 =	sshll.u32 s19, $0x7  }
0x18: {  	[tilespmem:s14], [sflag:$0x1] =	stream.indirect.gather [hbm4b:s1+s13], $0x80, s20, s13, $0xb8;
	[tilespmem:$0x5800] =	vst v63  }
0x19: {  	s20 =	sadd.s32 $0x400, s20  }
0x1a: {  	[tilespmem:s15], [sflag:$0x2] =	stream.indirect.gather [hbm4b:s2+s13], $0x80, s20, s13, $0xb8;
	[tilespmem:$0x5800] =	vst v63  }
0x1b: {  	_ =	swait.ge [sflag:s16], $0x2800  }
0x1c: {  	[sflag:s16] =	ssyncset.done $0x0  }
0x1d: {  	[sflag:s16] =	ssyncadd.s32 $0xFFFFD800  }
0x1e: {  	_ =	swait.ge [sflag:s17], $0x2800  }
0x1f: {  	[sflag:s17] =	ssyncset.done $0x0  }
0x20: {  	s20 =	simm.s32 $0x0;
	[sflag:s17] =	ssyncadd.s32 $0xFFFFD800  }
0x21: {  	v6 =	vld [tilespmem:s20+$0x3000]  }
0x22: {  	v11 =	vld [tilespmem:s20+$0x3010]  }
0x23: {  	v5 =	vld [tilespmem:s20+$0x3020]  }
0x24: {  	v4 =	vld [tilespmem:s20+$0x3030]  }
0x25: {  	v3 =	vld [tilespmem:s20+$0x3040]  }
0x26: {  	v2 =	vld [tilespmem:s20+$0x3050]  }
0x27: {  	v1 =	vld [tilespmem:s20+$0x3060]  }
0x28: {  	v0 =	vld [tilespmem:s20+$0x3070]  }
0x29: {  	v12 =	vld [tilespmem:s20+$0x800]  }
0x2a: {  	v13 =	vld [tilespmem:s20+$0x810]  }
0x2b: {  	v10 =	vld [tilespmem:s20+$0x820]  }
0x2c: {  	v9 =	vld [tilespmem:s20+$0x830]  }
0x2d: {  	v8 =	vld [tilespmem:s20+$0x840]  }
0x2e: {  	v7 =	vld [tilespmem:s20+$0x850];
	v12 =	vadd.f32 v6, v12  }
0x2f: {  	s21 =	simm.s32 $0x200;
	v11 =	vadd.f32 v11, v13;
	v6 =	vld [tilespmem:s20+$0x860]  }
.LBB2_3:
0x30: {  	s22 =	sshra.s32 s21, $0x2;
	p0 =	sne.s32 s21, $0x9E00;
	v12 =	vmax.f32 v12, $0.0e+00;
	v5 =	vadd.f32 v5, v10;
	v10 =	vld [tilespmem:s20+$0x870]  }
0x31: {  	v13 =	vld [tilespmem:s22+$0x3000];
	[tilespmem:s20+$0x800] =	vst v12;
	v11 =	vmax.f32 v11, $0.0e+00;
	v4 =	vadd.f32 v4, v9  }
0x32: {  	v14 =	vld [tilespmem:s22+$0x3010];
	[tilespmem:s20+$0x810] =	vst v11;
	v9 =	vmax.f32 v5, $0.0e+00;
	v3 =	vadd.f32 v3, v8  }
0x33: {  	v5 =	vld [tilespmem:s22+$0x3020];
	[tilespmem:s20+$0x820] =	vst v9;
	v8 =	vmax.f32 v4, $0.0e+00;
	v2 =	vadd.f32 v2, v7  }
0x34: {  	v4 =	vld [tilespmem:s22+$0x3030];
	[tilespmem:s20+$0x830] =	vst v8;
	v7 =	vmax.f32 v3, $0.0e+00;
	v1 =	vadd.f32 v1, v6  }
0x35: {  	v3 =	vld [tilespmem:s22+$0x3040];
	[tilespmem:s20+$0x840] =	vst v7;
	v6 =	vmax.f32 v2, $0.0e+00;
	v0 =	vadd.f32 v0, v10  }
0x36: {  	v2 =	vld [tilespmem:s22+$0x3050];
	[tilespmem:s20+$0x850] =	vst v6;
	v6 =	vmax.f32 v1, $0.0e+00  }
0x37: {  	v1 =	vld [tilespmem:s22+$0x3060];
	[tilespmem:s20+$0x860] =	vst v6;
	v6 =	vmax.f32 v0, $0.0e+00  }
0x38: {  	v0 =	vld [tilespmem:s22+$0x3070];
	[tilespmem:s20+$0x870] =	vst v6;
	s20 =	smov.u32 s22  }
0x39: {  	v6 =	vld [tilespmem:s20+$0x800]  }
0x3a: {  	v11 =	vld [tilespmem:s20+$0x810]  }
.Ltmp0:
0x3b: {  	v10 =	vld [tilespmem:s20+$0x820];
	(pc) =	sbr.rel @p0 .LBB2_3-.Ltmp0, $4  }
0x3c: {  	v9 =	vld [tilespmem:s20+$0x830]  }
0x3d: {  	v8 =	vld [tilespmem:s20+$0x840]  }
0x3e: {  	v12 =	vadd.f32 v13, v6;
	v7 =	vld [tilespmem:s20+$0x850]  }
0x3f: {  	s21 =	sadd.s32 $0x200, s21;
	v11 =	vadd.f32 v14, v11;
	v6 =	vld [tilespmem:s20+$0x860]  }
0x40: {  	v12 =	vmax.f32 v12, $0.0e+00;
	v5 =	vadd.f32 v5, v10;
	v63 =	vld [tilespmem:s20+$0x870]  }
0x41: {  	[tilespmem:s20+$0x800] =	vst v12;
	v11 =	vmax.f32 v11, $0.0e+00;
	v4 =	vadd.f32 v4, v9  }
0x42: {  	[tilespmem:s20+$0x810] =	vst v11;
	v5 =	vmax.f32 v5, $0.0e+00;
	v3 =	vadd.f32 v3, v8  }
0x43: {  	[tilespmem:s20+$0x820] =	vst v5;
	v4 =	vmax.f32 v4, $0.0e+00;
	v2 =	vadd.f32 v2, v7  }
0x44: {  	s21 =	smul.u32 $0x50, s19;
	[tilespmem:s20+$0x830] =	vst v4;
	v3 =	vmax.f32 v3, $0.0e+00;
	v1 =	vadd.f32 v1, v6  }
0x45: {  	[tilespmem:s20+$0x840] =	vst v3;
	v2 =	vmax.f32 v2, $0.0e+00;
	v0 =	vadd.f32 v0, v63  }
0x46: {  	s19 =	sadd.s32 $0x1, s19;
	s21 =	sadd.s32 s8, s21;
	[tilespmem:s20+$0x850] =	vst v2;
	v1 =	vmax.f32 v1, $0.0e+00  }
0x47: {  	p0 =	sne.s32 s19, s7;
	s21 =	sshll.u32 s21, $0x4;
	[tilespmem:s20+$0x860] =	vst v1;
	v0 =	vmax.f32 v0, $0.0e+00  }
.Ltmp1:
0x48: {  	s31 =	sadd.s32 s5, s21;
	[tilespmem:s20+$0x870] =	vst v0;
	(pc) =	sbr.rel @p0 .LBB2_2-.Ltmp1, $4  }
0x49: {  	[hbm4b:s31+s3] =	stream.linear.scatter [tilespmem:s14], [sflag:$0x3], $0x2800, $0x38;
	[tilespmem:$0x5800] =	vst v63  }
0x4a: {  	_ =	swait.ge [sflag:s11], $0x2800  }
0x4b: {  	[sflag:s11] =	ssyncset.done $0x0  }
0x4c: {  	[sflag:s11] =	ssyncadd.s32 $0xFFFFD800  }
0x4d: {  	s18 =	sadd.s32 $0x1, s18  }
0x4e: {  	p0 =	sne.s32 s18, s10  }
.Ltmp2:
0x4f: {  	_ = 	snop;
	(pc) =	sbr.rel @p0 .LBB2_1-.Ltmp2, $1  }
0x50: {  	_ =	sdelay $0x3  }
0x51: {  	_ =	sfence.sel $0x180000  }
0x52: {  	[bflag:$0x0] =	sbarrier.arrive $0xFFFF  }
0x53: {  	p0 =	sne.s32 s4, $0x0;
	_ =	strace $0x90000047  }
0x54: {  	s0 =	sadd.s32 @!p0 $0x100000, s0;
	[bflag:$0x2] =	sbarrier.arrive $0xFFFF  }
0x55: {  	[sflag:s0] =	ssyncadd.tile.s32 @!p0 $0x1;
	_ =	shalt  }
.Lfunc_end2:
_tile_overlayer_lowered:
.L_overlay_start_2:
0x56: {  	(tag) =	ssettag $0x2  }
0x57: {  	s0 =	rddreg [dreg:$0x0];
	s2 =	stileid.u32  }
0x58: {  	s1 =	rddreg [dreg:$0x1];
	p0 =	sne.s32 s2, $0x0  }
0x59: {  	s3 =	rddreg [dreg:$0x2];
	[bflag:$0x3] =	sbarrier.arrive $0xFFFF;
	s2 =	simm.s32 @!p0 $0x1C03  }
0x5a: {  	[timem:s3], [sflag:s2] =	dma.local @!p0 [hbm:s0], s1  }
0x5b: {  	s0 =	simm.s32 @!p0 $0x3  }
0x5c: {  	_ =	swait.ge @!p0 [sflag:s0], s1  }
0x5d: {  	s1 =	ssub.s32 @!p0 $0x0, s1;
	[sflag:s0] =	ssyncset.done @!p0 $0x0  }
0x5e: {  	[sflag:s0] =	ssyncadd.s32 @!p0 s1  }
0x5f: {  	[bflag:$0x3] =	sbarrier.arrive $0xFFFF  }
0x60: {  	_ =	shalt  }

// kernel: kernel.8.cloned.1.call-start
scs
__scs_entry_jumppad:
0x0: {  	(pc) =	sbr.rel $0x88, $3  }
0x1: {  	(tag) =	ssettag $0x0;
	lr =	simm.s32 $0x1  }
0x2: {  	[smem:$0x3F98] =	sst lr;
	_ =	strace $0xD0000000  }
0x3: {  	_ = 	snop  }
0x4: {  	_ = 	snop  }
0x5: {  	_ = 	snop  }
0x6: {  	_ = 	snop  }
0x7: {  	_ = 	snop  }
__scs_overlays_trampoline_lowered:
0x8: {  	[smem:$0x3FA7] =	sst s0  }
0x9: {  	[smem:$0x3FA8] =	sst s1  }
0xa: {  	[smem:$0x3FA9] =	sst s2  }
0xb: {  	[smem:$0x3FAA] =	sst s3  }
0xc: {  	[smem:$0x3FAB] =	sst s4  }
0xd: {  	[smem:$0x3FAC] =	sst s5  }
0xe: {  	[smem:$0x3FAD] =	sst s6  }
0xf: {  	[smem:$0x3FAE] =	sst s7  }
0x10: {  	[smem:$0x3FAF] =	sst s8  }
0x11: {  	[smem:$0x3FB0] =	sst s9;
	s0 =	simm.s32 @!p0 $0x0  }
0x12: {  	s1 =	sld [smem:$0x3F96];
	s0 =	simm.s32 @p0 $0x1  }
0x13: {  	[smem:$0x3FB1] =	sst s0;
	s0 =	simm.s32 @!p1 $0x0  }
0x14: {  	s2 =	sld [smem:$0x3F95];
	s0 =	simm.s32 @p1 $0x1  }
0x15: {  	[smem:$0x3FB2] =	sst s0;
	s0 =	simm.s32 @!p2 $0x0  }
0x16: {  	s3 =	sld [smem:$0x3FDB];
	s0 =	simm.s32 @p2 $0x1  }
0x17: {  	s4 =	simm.s32 $0x1BF5;
	[smem:$0x3FB4] =	sst s0  }
0x18: {  	s0 =	sld [smem:$0x3F97];
	_ =	swait.ge [sflag:s4], $0x0  }
0x19: {  	s7 =	sld [smem:$0x3F98]  }
0x1a: {  	s8 =	sadd.s32 $0xFFFFE003, lr  }
0x1b: {  	s9 =	sadd.s32 $0xFFFFFEF7, lr;
	s5 =	simm.s32 $0xFFFFFFFF;
	p2 =	slt.u32 s8, $0xFFFFF086  }
0x1c: {  	p1 =	slt.u32 s9, $0xF7A;
	s5 =	simm.s32 @!p2 $0x0  }
0x1d: {  	s5 =	simm.s32 @p1 $0x1;
	p0 =	seq.s32 s7, s2  }
0x1e: {  	s7 =	smul.u32 @!p0 $0xF7A, s2;
	p2 =	seq.s32 @!p0 s5, $0x0  }
0x1f: {  	s9 =	smul.u32 $0xF7A, s1;
	s8 =	simm.s32 @!p0 $0x1BF5;
	p2 =	por !p2, p0  }
0x20: {  	[sflag:s8] =	ssyncset.s32 @!p0 $0xFFFFF086;
	s6 =	sadd.s32 @!p0 s3, s7;
	s7 =	simm.s32 @!p0 $0x108  }
0x21: {  	s3 =	sadd.s32 s3, s9;
	s6 =	sadd.s32 @!p0 $0x88, s6;
	s7 =	simm.s32 @p2 $0x1082  }
0x22: {  	[simem:s7], [sflag:s8] =	dma.local @!p0 [hbm:s6], $0xF7A  }
0x23: {  	s9 =	sor.u32 $0xD0000000, s2;
	s6 =	simm.s32 $0x108;
	_ =	swait.ge @!p0 [sflag:s8], $0x0  }
0x24: {  	s3 =	sadd.s32 $0x88, s3;
	s6 =	simm.s32 @!p1 $0x1082;
	[sflag:s4] =	ssyncset.s32 $0xFFFFF086  }
0x25: {  	[simem:s6], [sflag:s4] =	dma.local [hbm:s3], $0xF7A  }
0x26: {  	[smem:$0x3F98] =	sst s1;
	(tag) =	ssettag s2;
	_ =	strace s9  }
0x27: {  	s1 =	sld [smem:$0x3FA8]  }
0x28: {  	s2 =	sld [smem:$0x3FA9]  }
0x29: {  	s4 =	sld [smem:$0x3FAB]  }
0x2a: {  	p0 =	seq.s32 s5, $0x0;
	s5 =	sld [smem:$0x3FAC]  }
0x2b: {  	s6 =	sld [smem:$0x3FAD]  }
0x2c: {  	s7 =	sld [smem:$0x3FAE]  }
0x2d: {  	s3 =	simm.s32 $0x108;
	s8 =	sld [smem:$0x3FAF]  }
0x2e: {  	s3 =	simm.s32 @!p0 $0x1082;
	s9 =	sld [smem:$0x3FB0]  }
0x2f: {  	lr =	sadd.s32 s0, s3;
	s0 =	sld [smem:$0x3FA7]  }
0x30: {  	s3 =	sld [smem:$0x3FAA]  }
0x31: {  	[smem:$0x3FB3] =	sst s10  }
0x32: {  	s10 =	sld [smem:$0x3FB1];
	_ =	sdelay $0x3  }
0x33: {  	p0 =	seq.s32 s10, $0x1;
	s10 =	sld [smem:$0x3FB3];
	_ =	sdelay $0x3  }
0x34: {  	[smem:$0x3FB3] =	sst s10  }
0x35: {  	s10 =	sld [smem:$0x3FB2];
	_ =	sdelay $0x3  }
0x36: {  	p1 =	seq.s32 s10, $0x1;
	s10 =	sld [smem:$0x3FB3];
	_ =	sdelay $0x3  }
0x37: {  	[smem:$0x3FB3] =	sst s10  }
0x38: {  	s10 =	sld [smem:$0x3FB4]  }
0x39: {  	_ = 	snop;
	(pc) =	sbr.ind lr, $3  }
0x3a: {  	_ = 	snop  }
0x3b: {  	_ = 	snop  }
0x3c: {  	p2 =	seq.s32 s10, $0x1;
	s10 =	sld [smem:$0x3FB3]  }
0x3d: {  	_ =	shalt  }
0x3e: {  	_ =	shalt  }
0x3f: {  	_ =	shalt  }
0x40: {  	_ =	shalt  }
0x41: {  	_ =	shalt  }
0x42: {  	_ =	shalt  }
0x43: {  	_ =	shalt  }
0x44: {  	_ =	shalt  }
0x45: {  	_ =	shalt  }
0x46: {  	_ =	shalt  }
0x47: {  	_ =	shalt  }
0x48: {  	_ =	shalt  }
0x49: {  	_ =	shalt  }
0x4a: {  	_ =	shalt  }
0x4b: {  	_ =	shalt  }
0x4c: {  	_ =	shalt  }
0x4d: {  	_ =	shalt  }
0x4e: {  	_ =	shalt  }
0x4f: {  	_ =	shalt  }
0x50: {  	_ =	shalt  }
0x51: {  	_ =	shalt  }
0x52: {  	_ =	shalt  }
0x53: {  	_ =	shalt  }
0x54: {  	_ =	shalt  }
0x55: {  	_ =	shalt  }
0x56: {  	_ =	shalt  }
0x57: {  	_ =	shalt  }
0x58: {  	_ =	shalt  }
0x59: {  	_ =	shalt  }
0x5a: {  	_ =	shalt  }
0x5b: {  	_ =	shalt  }
0x5c: {  	_ =	shalt  }
0x5d: {  	_ =	shalt  }
0x5e: {  	_ =	shalt  }
0x5f: {  	_ =	shalt  }
0x60: {  	_ =	shalt  }
0x61: {  	_ =	shalt  }
0x62: {  	_ =	shalt  }
0x63: {  	_ =	shalt  }
0x64: {  	_ =	shalt  }
0x65: {  	_ =	shalt  }
0x66: {  	_ =	shalt  }
0x67: {  	_ =	shalt  }
0x68: {  	_ =	shalt  }
0x69: {  	_ =	shalt  }
0x6a: {  	_ =	shalt  }
0x6b: {  	_ =	shalt  }
0x6c: {  	_ =	shalt  }
0x6d: {  	_ =	shalt  }
0x6e: {  	_ =	shalt  }
0x6f: {  	_ =	shalt  }
0x70: {  	_ =	shalt  }
0x71: {  	_ =	shalt  }
0x72: {  	_ =	shalt  }
0x73: {  	_ =	shalt  }
0x74: {  	_ =	shalt  }
0x75: {  	_ =	shalt  }
0x76: {  	_ =	shalt  }
0x77: {  	_ =	shalt  }
0x78: {  	_ =	shalt  }
0x79: {  	_ =	shalt  }
0x7a: {  	_ =	shalt  }
0x7b: {  	_ =	shalt  }
0x7c: {  	_ =	shalt  }
0x7d: {  	_ =	shalt  }
0x7e: {  	_ =	shalt  }
0x7f: {  	_ =	shalt  }
0x80: {  	_ =	shalt  }
0x81: {  	_ =	shalt  }
0x82: {  	_ =	shalt  }
0x83: {  	_ =	shalt  }
0x84: {  	_ =	shalt  }
0x85: {  	_ =	shalt  }
0x86: {  	_ =	shalt  }
0x87: {  	_ =	shalt  }
.Lfunc_end0:
.L_simem_size_0:
called_computation.1_lowered:
.L_overlay_start_0:
0x88: {  	s2 =	sld [smem:$0x3FD9]  }
0x89: {  	s3 =	sld [smem:$0x3FFE];
	_ =	sdelay $0x1  }
0x8a: {  	s1 =	srdreg.scid  }
0x8b: {  	s0 =	sand.u32 $0x1, s1  }
0x8c: {  	s17 =	sshll.u32 s0, $0xA;
	s2 =	sadd.s32 s3, s2  }
0x8d: {  	s2 =	sadd.s32 s2, s17  }
0x8e: {  	[smem:$0x3FBF] =	sst s2  }
0x8f: {  	_ = 	snop  }
0x90: {  	s2 =	sld [smem:$0x3FD0];
	(tm) =	ssettm $0x1  }
0x91: {  	s18 =	sld [smem:$0x3FFB];
	_ =	sdelay $0x3  }
0x92: {  	_ =	strace s18  }
0x93: {  	s3 =	sld [smem:$0x3FFC];
	_ =	sdelay $0x3  }
0x94: {  	_ =	strace s3  }
0x95: {  	s3 =	sld [smem:$0x3FFD];
	_ =	sdelay $0x3  }
0x96: {  	_ =	strace s3  }
0x97: {  	_ =	strace $0x8FFFFFFF  }
0x98: {  	s19 =	sld [smem:$0x3FDB];
	_ =	sdelay $0x1  }
0x99: {  	s4 =	simm.s32 $_scs_section_size  }
0x9a: {  	s5 =	simm.s32 $_size__tile_overlayer_lowered;
	s6 =	simm.s32 $_tile_overlayer_lowered  }
0x9b: {  	s22 =	simm.s32 $0x1BFF;
	s21 =	sshll.u32 s6, $0x1;
	s3 =	sadd.s32 s4, s19  }
0x9c: {  	s7 =	simm.s32 $0x0;
	s20 =	sshll.u32 s5, $0x1;
	s5 =	sadd.s32 s21, s3  }
0x9d: {  	[timem:s7], [sflag:s22] =	dma.local [hbm:s5], s20  }
0x9e: {  	_ =	swait.ge [sflag:s22], s20  }
0x9f: {  	s4 =	ssub.s32 $0x0, s20;
	[sflag:s22] =	ssyncset.done $0x0  }
0xa0: {  	[sflag:s22] =	ssyncadd.s32 s4;
	_ =	sdelay $0x1  }
0xa1: {  	s23 =	simm.s32 $0x1B8B  }
0xa2: {  	_ =	swait.ge [sflag:s23], $0x1  }
0xa3: {  	[sflag:s23] =	ssyncset.done $0x0  }
0xa4: {  	s25 =	simm.s32 $0x1B8E;
	s24 =	sld [smem:$0x3FFE];
	[sflag:s23] =	ssyncadd.s32 $0xFFFFFFFF  }
0xa5: {  	s26 =	simm.s32 $execute0_lowered;
	[smem:$0x3FD2] =	sst s25  }
0xa6: {  	s5 =	sshll.u32 s26, $0x1;
	_ =	strace $0x80000049;
	[dreg:$0x1] =	wrdreg $0xFFFFFFFF  }
0xa7: {  	s28 =	simm.s32 $_size_execute0_lowered;
	s3 =	sadd.s32 s3, s5;
	[dreg:$0x0] =	wrdreg $0x0  }
0xa8: {  	s5 =	sshll.u32 s28, $0x1;
	[dreg:$0x2] =	wrdreg s3  }
0xa9: {  	[dreg:$0x3] =	wrdreg s5  }
0xaa: {  	[dreg:$0x4] =	wrdreg $0xC0  }
0xab: {  	_ =	task [dreg:s7], $0x5FFFF  }
0xac: {  	[dreg:$0x1] =	wrdreg $0xFFFFFFFF  }
0xad: {  	[dreg:$0x0] =	wrdreg $0x60  }
0xae: {  	[dreg:$0x2] =	wrdreg s24  }
0xaf: {  	[dreg:$0x3] =	wrdreg s2  }
0xb0: {  	[dreg:$0x4] =	wrdreg $0xA0000  }
0xb1: {  	[dreg:$0x5] =	wrdreg $0x9  }
0xb2: {  	_ =	task.clear_ibuf [dreg:s7], $0x6FFFF;
	_ =	strace $0x90000049  }
0xb3: {  	s29 =	simm.s32 $0x9;
	_ =	strace $0x8000004B  }
0xb4: {  	_ =	swait.ge [sflag:s29], $0x1  }
0xb5: {  	[sflag:s29] =	ssyncadd.s32 $0xFFFFFFFF  }
0xb6: {  	_ =	strace $0x9000004B  }
0xb7: {  	_ =	sfence  }
0xb8: {  	s30 =	sld [smem:$0x0];
	_ =	sdelay $0x2  }
0xb9: {  	s31 =	sshll.u32 s1, $0xD;
	s1 =	sshrl.u32 s1, $0x2  }
0xba: {  	s3 =	sand.u32 $0x4000, s31;
	s1 =	sadd.s32 s1, s30  }
0xbb: {  	s0 =	sor.u32 s3, s0;
	s1 =	sshll.u32 s1, $0x11  }
0xbc: {  	s0 =	sor.u32 s1, s0  }
0xbd: {  	s0 =	sadd.s32 $0x8F2B, s0  }
0xbe: {  	[sflag:s0] =	ssyncadd.remote.s32 $0x1  }
0xbf: {  	_ =	sfence.sel $0xFFFF  }
0xc0: {  	[dreg:$0x0] =	wrdreg $0xFFFFFFFF;
	(pc) =	sbr.abs _section_cstart, $3  }
0xc1: {  	[dreg:$0x1] =	wrdreg $0xFFFFFFFF  }
0xc2: {  	_ =	task.clear_ibuf [dreg:s7], $0x2FFFF;
	_ =	strace $0x9FFFFFFF  }
0xc3: {  	(tm) =	ssettm $0x7FFFFFFF  }
tec
execute0_lowered:
.L_overlay_start_1:
0x0: {  	(tag) =	ssettag $0x1  }
0x1: {  	s5 =	rddreg [dreg:$0x0]  }
0x2: {  	s6 =	rddreg [dreg:$0x1];
	s1 =	srdreg.scid  }
0x3: {  	s0 =	stileid.u32;
	s2 =	rddreg [dreg:$0x2]  }
0x4: {  	s3 =	simm.s32 $0x0;
	s21 =	simm.s32 $0x6000;
	s22 =	simm.s32 $0x80  }
0x5: {  	s23 =	simm.s32 $0x1;
	s24 =	simm.s32 $0x0;
	s12 =	sand.u32 $0x1, s1  }
0x6: {  	s4 =	sshll.u32 s0, $0x1;
	s1 =	rddreg [dreg:$0x3];
	s10 =	smul.u32 $0x50000, s0  }
0x7: {  	[smem:$0x7FF] =	sst s3;
	s17 =	sadd.s32 $0x36000, s5;
	s13 =	smul.u32 $0x14000, s0  }
0x8: {  	s4 =	sor.u32 s12, s4;
	_ =	strace $0x8000004A;
	s9 =	ssub.s32 $0x2, s12  }
0x9: {  	s20 =	smul.u32 $0x140000, s12;
	p0 =	seq.s32 s12, $0x0;
	s12 =	simm.s32 $0x5A  }
0xa: {  	s7 =	smul.u32 $0x600, s4;
	s4 =	sadd.s32 $0x2000, s5;
	s30 =	sshrl.u32 s9, $0x1  }
0xb: {  	s31 =	sshrl.u32 s10, $0x2;
	s14 =	sadd.s32 $0x4000, s13;
	s15 =	sadd.s32 $0x8000, s13  }
0xc: {  	s16 =	sadd.s32 $0xC000, s13;
	s19 =	sadd.s32 $0x10000, s13;
	s12 =	simm.s32 @!p0 $0x43  }
0xd: {  	s18 =	ssub.s32 s9, s30;
	s9 =	sadd.s32 s15, s2;
	s10 =	sadd.s32 s16, s2  }
0xe: {  	s11 =	sadd.s32 s19, s2;
	s13 =	sadd.s32 s13, s20;
	s15 =	sadd.s32 s20, s15  }
0xf: {  	s16 =	sadd.s32 s20, s16;
	s19 =	sadd.s32 s20, s19;
	s8 =	sadd.s32 s7, s5  }
0x10: {  	s5 =	sadd.s32 s6, s7;
	s7 =	sadd.s32 s31, s2;
	s13 =	sshrl.u32 s13, $0x3  }
0x11: {  	s15 =	sshrl.u32 s15, $0x3;
	s16 =	sshrl.u32 s16, $0x3;
	s19 =	sshrl.u32 s19, $0x3  }
0x12: {  	s18 =	smax.u32 s18, $0x1;
	s6 =	sadd.s32 $0x2A000, s8;
	s8 =	sadd.s32 s14, s2  }
0x13: {  	s14 =	sadd.s32 s20, s14;
	s13 =	sadd.s32 s17, s13;
	s15 =	sadd.s32 s17, s15  }
0x14: {  	s16 =	sadd.s32 s17, s16;
	s20 =	simm.s32 $0x3000;
	s14 =	sshrl.u32 s14, $0x3  }
0x15: {  	v0 =	vimm.f32 $0.0e+00;
	s14 =	sadd.s32 s17, s14;
	s17 =	sadd.s32 s17, s19;
	s19 =	simm.s32 $0x2  }
.LBB2_1:
0x16: {  	[tilespmem:s3], [sflag:$0x2] =	stream.linear.gather [hbm4b:s5+s3], $0x2D00, $0x38;
	[tilespmem:$0x1E000] =	vst v63  }
0x17: {  	_ =	swait.ge [sflag:s19], $0x2D00  }
0x18: {  	[sflag:s19] =	ssyncset.done $0x0  }
0x19: {  	[sflag:s19] =	ssyncadd.s32 $0xFFFFD300  }
0x1a: {  	[tilespmem:s20], [sflag:$0x2] =	stream.linear.gather [hbm4b:s6+s3], $0x2D00, $0x38;
	[tilespmem:$0x1E000] =	vst v63  }
0x1b: {  	_ =	swait.ge [sflag:s19], $0x2D00  }
0x1c: {  	[sflag:s19] =	ssyncset.done $0x0  }
0x1d: {  	s25 =	simm.s32 $0x0;
	s26 =	simm.s32 $0x200;
	[sflag:s19] =	ssyncadd.s32 $0xFFFFD300  }
.LBB2_2:
0x1e: {  	p0 =	sne.s32 s26, $0xFE00;
	[tilespmem:s25+$0x6070] =	vst v0  }
0x1f: {  	[tilespmem:s25+$0x6000] =	vst v0  }
0x20: {  	[tilespmem:s25+$0x6010] =	vst v0  }
.Ltmp0:
0x21: {  	[tilespmem:s25+$0x6020] =	vst v0;
	(pc) =	sbr.rel @p0 .LBB2_2-.Ltmp0, $4  }
0x22: {  	[tilespmem:s25+$0x6030] =	vst v0  }
0x23: {  	[tilespmem:s25+$0x6040] =	vst v0  }
0x24: {  	[tilespmem:s25+$0x6050] =	vst v0  }
0x25: {  	[tilespmem:s25+$0x6060] =	vst v0;
	s25 =	sshra.s32 s26, $0x2;
	s26 =	sadd.s32 $0x200, s26  }
0x26: {  	[tilespmem:s25+$0x6070] =	vst v0  }
0x27: {  	[tilespmem:s25+$0x6000] =	vst v0  }
0x28: {  	[tilespmem:s25+$0x6010] =	vst v0  }
0x29: {  	[tilespmem:s25+$0x6020] =	vst v0  }
0x2a: {  	[tilespmem:s25+$0x6030] =	vst v0  }
0x2b: {  	[tilespmem:s25+$0x6040] =	vst v0  }
0x2c: {  	[tilespmem:s25+$0x6050] =	vst v0  }
0x2d: {  	[tilespmem:s25+$0x6060] =	vst v0  }
0x2e: {  	[spmem:s7] =	stream.linear.scatter [tilespmem:s21], [sflag:$0x2], $0x4000, $0x38;
	[tilespmem:$0x1E000] =	vst v63  }
0x2f: {  	_ =	swait.ge [sflag:s19], $0x4000  }
0x30: {  	[sflag:s19] =	ssyncset.done $0x0  }
0x31: {  	[sflag:s19] =	ssyncadd.s32 $0xFFFFC000  }
0x32: {  	[spmem:s8] =	stream.linear.scatter [tilespmem:s21], [sflag:$0x2], $0x4000, $0x38;
	[tilespmem:$0x1E000] =	vst v63  }
0x33: {  	_ =	swait.ge [sflag:s19], $0x4000  }
0x34: {  	[sflag:s19] =	ssyncset.done $0x0  }
0x35: {  	[sflag:s19] =	ssyncadd.s32 $0xFFFFC000  }
0x36: {  	[spmem:s9] =	stream.linear.scatter [tilespmem:s21], [sflag:$0x2], $0x4000, $0x38;
	[tilespmem:$0x1E000] =	vst v63  }
0x37: {  	_ =	swait.ge [sflag:s19], $0x4000  }
0x38: {  	[sflag:s19] =	ssyncset.done $0x0  }
0x39: {  	[sflag:s19] =	ssyncadd.s32 $0xFFFFC000  }
0x3a: {  	[spmem:s10] =	stream.linear.scatter [tilespmem:s21], [sflag:$0x2], $0x4000, $0x38;
	[tilespmem:$0x1E000] =	vst v63  }
0x3b: {  	_ =	swait.ge [sflag:s19], $0x4000  }
0x3c: {  	[sflag:s19] =	ssyncset.done $0x0  }
0x3d: {  	[sflag:s19] =	ssyncadd.s32 $0xFFFFC000  }
0x3e: {  	[spmem:s11] =	stream.linear.scatter [tilespmem:s21], [sflag:$0x2], $0x4000, $0x38;
	[tilespmem:$0x1E000] =	vst v63  }
0x3f: {  	_ =	swait.ge [sflag:s19], $0x4000  }
0x40: {  	[sflag:s19] =	ssyncset.done $0x0  }
0x41: {  	[sflag:s19] =	ssyncadd.s32 $0xFFFFC000  }
0x42: {  	s25 =	simm.s32 $0x0;
	[bflag:$0x0] =	sbarrier.arrive $0xFFFF  }
0x43: {  	[tilespmem:s21], [sflag:$0x1] =	stream.indirect.gather [hbm4b:s4+s22], $0x80, s25, s22, $0xb8;
	[tilespmem:$0x1E000] =	vst v63  }
0x44: {  	p0 =	sne.s32 s12, $0x1;
	_ =	swait.ge [sflag:s23], $0x4000  }
.Ltmp1:
0x45: {  	[sflag:s23] =	ssyncset.done $0x0;
	(pc) =	sbr.rel @!p0 .LBB2_5-.Ltmp1, $4  }
0x46: {  	s26 =	simm.s32 $0x3000;
	[sflag:s23] =	ssyncadd.s32 $0xFFFFC000  }
0x47: {  	[spmem:s2] =	stream.indirect.scatter.add.f32 [tilespmem:s21], [sflag:$0x2], $0x80, s26, s22, $0xb8;
	[tilespmem:$0x1E000] =	vst v63  }
0x48: {  	_ =	swait.ge [sflag:s19], $0x4000  }
0x49: {  	s28 =	sadd.s32 $0xFFFFFFFF, s12;
	[sflag:s19] =	ssyncset.done $0x0  }
.LBB2_4:
0x4a: {  	[sflag:s19] =	ssyncadd.s32 $0xFFFFC000;
	s25 =	sadd.s32 $0x80, s25;
	s26 =	sadd.s32 $0x80, s26  }
0x4b: {  	[tilespmem:s21], [sflag:$0x1] =	stream.indirect.gather [hbm4b:s4+s22], $0x80, s25, s22, $0xb8;
	[tilespmem:$0x1E000] =	vst v63  }
0x4c: {  	p0 =	sne.s32 s28, $0x1;
	s28 =	sadd.s32 $0xFFFFFFFF, s28;
	_ =	swait.ge [sflag:s23], $0x4000  }
.Ltmp2:
0x4d: {  	[sflag:s23] =	ssyncset.done $0x0;
	(pc) =	sbr.rel @p0 .LBB2_4-.Ltmp2, $4  }
0x4e: {  	[sflag:s23] =	ssyncadd.s32 $0xFFFFC000  }
0x4f: {  	[spmem:s2] =	stream.indirect.scatter.add.f32 [tilespmem:s21], [sflag:$0x2], $0x80, s26, s22, $0xb8;
	[tilespmem:$0x1E000] =	vst v63  }
0x50: {  	_ =	swait.ge [sflag:s19], $0x4000  }
0x51: {  	[sflag:s19] =	ssyncset.done $0x0  }
.LBB2_5:
0x52: {  	[sflag:s19] =	ssyncadd.s32 $0xFFFFC000  }
0x53: {  	[bflag:$0x0] =	sbarrier.arrive $0xFFFF  }
0x54: {  	[tilespmem:s21], [sflag:$0x2] =	stream.linear.gather [spmem:s7], $0x4000, $0x38;
	[tilespmem:$0x1E000] =	vst v63  }
0x55: {  	_ =	swait.ge [sflag:s19], $0x4000  }
0x56: {  	[sflag:s19] =	ssyncset.done $0x0  }
0x57: {  	[sflag:s19] =	ssyncadd.s32 $0xFFFFC000  }
0x58: {  	[hbm4b:s13+s3] =	stream.linear.scatter [tilespmem:s21], [sflag:$0x2], $0x4000, $0x38;
	[tilespmem:$0x1E000] =	vst v63  }
0x59: {  	_ =	swait.ge [sflag:s19], $0x4000  }
0x5a: {  	[sflag:s19] =	ssyncset.done $0x0  }
0x5b: {  	[sflag:s19] =	ssyncadd.s32 $0xFFFFC000  }
0x5c: {  	[tilespmem:s21], [sflag:$0x2] =	stream.linear.gather [spmem:s8], $0x4000, $0x38;
	[tilespmem:$0x1E000] =	vst v63  }
0x5d: {  	_ =	swait.ge [sflag:s19], $0x4000  }
0x5e: {  	[sflag:s19] =	ssyncset.done $0x0  }
0x5f: {  	[sflag:s19] =	ssyncadd.s32 $0xFFFFC000  }
0x60: {  	[hbm4b:s14+s3] =	stream.linear.scatter [tilespmem:s21], [sflag:$0x2], $0x4000, $0x38;
	[tilespmem:$0x1E000] =	vst v63  }
0x61: {  	_ =	swait.ge [sflag:s19], $0x4000  }
0x62: {  	[sflag:s19] =	ssyncset.done $0x0  }
0x63: {  	[sflag:s19] =	ssyncadd.s32 $0xFFFFC000  }
0x64: {  	[tilespmem:s21], [sflag:$0x2] =	stream.linear.gather [spmem:s9], $0x4000, $0x38;
	[tilespmem:$0x1E000] =	vst v63  }
0x65: {  	_ =	swait.ge [sflag:s19], $0x4000  }
0x66: {  	[sflag:s19] =	ssyncset.done $0x0  }
0x67: {  	[sflag:s19] =	ssyncadd.s32 $0xFFFFC000  }
0x68: {  	[hbm4b:s15+s3] =	stream.linear.scatter [tilespmem:s21], [sflag:$0x2], $0x4000, $0x38;
	[tilespmem:$0x1E000] =	vst v63  }
0x69: {  	_ =	swait.ge [sflag:s19], $0x4000  }
0x6a: {  	[sflag:s19] =	ssyncset.done $0x0  }
0x6b: {  	[sflag:s19] =	ssyncadd.s32 $0xFFFFC000  }
0x6c: {  	[tilespmem:s21], [sflag:$0x2] =	stream.linear.gather [spmem:s10], $0x4000, $0x38;
	[tilespmem:$0x1E000] =	vst v63  }
0x6d: {  	_ =	swait.ge [sflag:s19], $0x4000  }
0x6e: {  	[sflag:s19] =	ssyncset.done $0x0  }
0x6f: {  	[sflag:s19] =	ssyncadd.s32 $0xFFFFC000  }
0x70: {  	[hbm4b:s16+s3] =	stream.linear.scatter [tilespmem:s21], [sflag:$0x2], $0x4000, $0x38;
	[tilespmem:$0x1E000] =	vst v63  }
0x71: {  	_ =	swait.ge [sflag:s19], $0x4000  }
0x72: {  	[sflag:s19] =	ssyncset.done $0x0  }
0x73: {  	[sflag:s19] =	ssyncadd.s32 $0xFFFFC000  }
0x74: {  	[tilespmem:s21], [sflag:$0x2] =	stream.linear.gather [spmem:s11], $0x4000, $0x38;
	[tilespmem:$0x1E000] =	vst v63  }
0x75: {  	s24 =	sadd.s32 $0x1, s24;
	_ =	swait.ge [sflag:s19], $0x4000  }
0x76: {  	p0 =	sne.s32 s24, s18;
	[sflag:s19] =	ssyncset.done $0x0  }
.Ltmp3:
0x77: {  	[sflag:s19] =	ssyncadd.s32 $0xFFFFC000;
	(pc) =	sbr.rel @p0 .LBB2_1-.Ltmp3, $4  }
0x78: {  	[hbm4b:s17+s3] =	stream.linear.scatter [tilespmem:s21], [sflag:$0x2], $0x4000, $0x38;
	[tilespmem:$0x1E000] =	vst v63  }
0x79: {  	_ =	swait.ge [sflag:s19], $0x4000  }
0x7a: {  	[sflag:s19] =	ssyncset.done $0x0  }
0x7b: {  	[sflag:s19] =	ssyncadd.s32 $0xFFFFC000  }
0x7c: {  	_ =	sfence.sel $0x180000  }
0x7d: {  	[bflag:$0x0] =	sbarrier.arrive $0xFFFF  }
0x7e: {  	p0 =	sne.s32 s0, $0x0;
	_ =	strace $0x9000004A  }
0x7f: {  	s0 =	sadd.s32 @!p0 $0x100000, s1;
	[bflag:$0x2] =	sbarrier.arrive $0xFFFF  }
0x80: {  	[sflag:s0] =	ssyncadd.tile.s32 @!p0 $0x1;
	_ =	shalt  }
.Lfunc_end2:
_tile_overlayer_lowered:
.L_overlay_start_2:
0x81: {  	(tag) =	ssettag $0x2  }
0x82: {  	s0 =	rddreg [dreg:$0x0];
	s2 =	stileid.u32  }
0x83: {  	s1 =	rddreg [dreg:$0x1];
	p0 =	sne.s32 s2, $0x0  }
0x84: {  	s3 =	rddreg [dreg:$0x2];
	[bflag:$0x3] =	sbarrier.arrive $0xFFFF;
	s2 =	simm.s32 @!p0 $0x1C02  }
0x85: {  	[timem:s3], [sflag:s2] =	dma.local @!p0 [hbm:s0], s1  }
0x86: {  	s0 =	simm.s32 @!p0 $0x2  }
0x87: {  	_ =	swait.ge @!p0 [sflag:s0], s1  }
0x88: {  	s1 =	ssub.s32 @!p0 $0x0, s1;
	[sflag:s0] =	ssyncset.done @!p0 $0x0  }
0x89: {  	[sflag:s0] =	ssyncadd.s32 @!p0 s1  }
0x8a: {  	[bflag:$0x3] =	sbarrier.arrive $0xFFFF  }
0x8b: {  	_ =	shalt  }

</sc_bundles>
